<compile_context>
chip_gen: v7x
topology: tpu7x:2x2x1
jax: 0.10.2.dev20260603
libtpu: 0.0.44.dev20260713+nightly
codegen_flags: <defaults>
</compile_context>

<pallas_src>
import functools

import jax
import jax.numpy as jnp
from jax import lax
from jax.experimental import pallas as pl
from jax.experimental.pallas import tpu as pltpu
from jax.experimental.pallas import tpu_sc as plsc

NC = 2
NS = 16
NW = NC * NS
CH = 80
BR = 1000


def _sc_mesh():
    return plsc.VectorSubcoreMesh(
        core_axis_name="c", subcore_axis_name="s", num_cores=NC, num_subcores=NS
    )


def _pad_rows(n):
    return NS * ((n + 8 * NS - 1) // (8 * NS)) * 8 // NS




@functools.cache
def _make_deg_kernel(n, e):
    epw = e // NW
    nch = epw // CH
    r = _pad_rows(n)
    np_ = NS * r

    def body(dst_hbm, zeros_hbm, ones_hbm, out_hbm, deg_sh, idx_v, ones_v, sem):
        cid = lax.axis_index("c")
        sid = lax.axis_index("s")
        wid = cid * NS + sid
        pltpu.sync_copy(ones_hbm, ones_v)
        pltpu.sync_copy(zeros_hbm, deg_sh.at[pl.ds(sid * r, r)])
        plsc.subcore_barrier()

        def chunk(k, carry):
            off = wid * epw + k * CH
            pltpu.sync_copy(dst_hbm.at[pl.ds(off, CH)], idx_v)
            pltpu.sync_copy(ones_v, deg_sh.at[idx_v], add=True)
            return carry

        lax.fori_loop(0, nch, chunk, 0)
        plsc.subcore_barrier()
        pltpu.sync_copy(deg_sh.at[pl.ds(sid * r, r)],
                        out_hbm.at[cid, pl.ds(sid * r, r)])

    return pl.kernel(
        body,
        out_type=jax.ShapeDtypeStruct((NC, np_, 16), jnp.float32),
        mesh=_sc_mesh(),
        scratch_types=[
            pltpu.VMEM_SHARED((np_, 16), jnp.float32),
            pltpu.VMEM((CH,), jnp.int32),
            pltpu.VMEM((CH, 16), jnp.float32),
            pltpu.SemaphoreType.DMA,
        ],
    )


@functools.cache
def _make_scatter_kernel(n, e, h):
    epw = e // NW
    nch = epw // CH
    r = _pad_rows(n)
    np_ = NS * r
    tail = n - (NS - 1) * r
    ztail = np_ - n

    def body(g_hbm, src_hbm, dst_hbm, zeros_hbm, out_hbm,
             acc_sh, sidx_v, didx_v, rows_v, sem):
        cid = lax.axis_index("c")
        sid = lax.axis_index("s")
        wid = cid * NS + sid

        pltpu.sync_copy(zeros_hbm, acc_sh.at[pl.ds(sid * r, r)])
        plsc.subcore_barrier()

        def chunk(k, carry):
            off = wid * epw + k * CH
            pltpu.sync_copy(src_hbm.at[pl.ds(off, CH)], sidx_v)
            pltpu.sync_copy(dst_hbm.at[pl.ds(off, CH)], didx_v)
            pltpu.async_copy(g_hbm.at[sidx_v], rows_v, sem).wait()
            pltpu.sync_copy(rows_v, acc_sh.at[didx_v], add=True)
            return carry

        lax.fori_loop(0, nch, chunk, 0)
        plsc.subcore_barrier()
        pltpu.sync_copy(acc_sh.at[pl.ds(sid * r, r)],
                        out_hbm.at[cid, pl.ds(sid * r, r)])

    return pl.kernel(
        body,
        out_type=jax.ShapeDtypeStruct((NC, np_, h), jnp.float32),
        mesh=_sc_mesh(),
        compiler_params=pltpu.CompilerParams(use_tc_tiling_on_sc=True),
        scratch_types=[
            pltpu.VMEM_SHARED((np_, h), jnp.float32),
            pltpu.VMEM((CH,), jnp.int32),
            pltpu.VMEM((CH,), jnp.int32),
            pltpu.VMEM((CH, h), jnp.float32),
            pltpu.SemaphoreType.DMA,
        ],
    )




def _row_spec(w):
    return pl.BlockSpec((BR, w), lambda i: (i, 0))


def _full_spec(a, b):
    return pl.BlockSpec((a, b), lambda i: (0, 0))


def _tc_dinv(degp, n):

    def body(deg_ref, o_ref):
        deg = deg_ref[0, :, 0:1] + deg_ref[1, :, 0:1] + 1.0
        o_ref[...] = jnp.broadcast_to(lax.rsqrt(deg), o_ref.shape)

    return pl.pallas_call(
        body,
        grid=(n // BR,),
        in_specs=[pl.BlockSpec((NC, BR, 16), lambda i: (0, i, 0))],
        out_specs=_row_spec(128),
        out_shape=jax.ShapeDtypeStruct((n, 128), jnp.float32),
    )(degp)


def _tc_first(x, w1, dinv):
    n, d = x.shape
    h = w1.shape[1]

    def body(x_ref, w_ref, dinv_ref, g_ref):
        g_ref[...] = dinv_ref[...] * jnp.dot(
            x_ref[...], w_ref[...], preferred_element_type=jnp.float32)

    return pl.pallas_call(
        body,
        grid=(n // BR,),
        in_specs=[_row_spec(d), _full_spec(d, h), _row_spec(128)],
        out_specs=_row_spec(h),
        out_shape=jax.ShapeDtypeStruct((n, h), jnp.float32),
    )(x, w1, dinv)


def _tc_accsum(accp, n, h):

    def body(acc_ref, o_ref):
        o_ref[...] = acc_ref[0] + acc_ref[1]

    return pl.pallas_call(
        body,
        grid=(n // BR,),
        in_specs=[pl.BlockSpec((NC, BR, h), lambda i: (0, i, 0))],
        out_specs=_row_spec(h),
        out_shape=jax.ShapeDtypeStruct((n, h), jnp.float32),
    )(accp)


def _tc_mid(acc, g1, dinv, b1, w2):
    n, h = g1.shape

    def body(acc_ref, g_ref, dinv_ref, b_ref, w_ref, o_ref):
        dv = dinv_ref[...]
        h1 = jnp.maximum(dv * (acc_ref[...] + g_ref[...]) + b_ref[...], 0.0)
        o_ref[...] = dv * jnp.dot(h1, w_ref[...],
                                  preferred_element_type=jnp.float32)

    return pl.pallas_call(
        body,
        grid=(n // BR,),
        in_specs=[
            _row_spec(h), _row_spec(h), _row_spec(128),
            _full_spec(1, h), _full_spec(h, h),
        ],
        out_specs=_row_spec(h),
        out_shape=jax.ShapeDtypeStruct((n, h), jnp.float32),
    )(acc, g1, dinv, b1, w2)


def _tc_h2(acc, g2, dinv, b2):
    n, h = g2.shape

    def body(acc_ref, g_ref, dinv_ref, b_ref, o_ref):
        pre = dinv_ref[...] * (acc_ref[...] + g_ref[...]) + b_ref[...]
        o_ref[...] = jnp.maximum(pre, 0.0)

    return pl.pallas_call(
        body,
        grid=(n // BR,),
        in_specs=[
            _row_spec(h), _row_spec(h), _row_spec(128), _full_spec(1, h),
        ],
        out_specs=_row_spec(h),
        out_shape=jax.ShapeDtypeStruct((n, h), jnp.float32),
    )(acc, g2, dinv, b2)


def _tc_scores(h2, att_w):
    n, h = h2.shape

    def body(h_ref, aw_ref, s_ref):
        s_ref[...] = jnp.dot(h_ref[...], aw_ref[...],
                             preferred_element_type=jnp.float32)

    return pl.pallas_call(
        body,
        grid=(n // BR,),
        in_specs=[_row_spec(h), _full_spec(h, 1)],
        out_specs=_row_spec(1),
        out_shape=jax.ShapeDtypeStruct((n, 1), jnp.float32),
    )(h2, att_w)


def _tc_probs(scores):
    n = scores.shape[0]

    def body(s_ref, p_ref):
        s = s_ref[...]
        m = jnp.max(s)
        e = jnp.exp(s - m)
        p_ref[...] = e / jnp.sum(e)

    return pl.pallas_call(
        body,
        in_specs=[pl.BlockSpec((n, 1), lambda: (0, 0))],
        out_specs=pl.BlockSpec((n, 1), lambda: (0, 0)),
        out_shape=jax.ShapeDtypeStruct((n, 1), jnp.float32),
    )(scores)


def _tc_attend(h2, probs):
    n, h = h2.shape

    def body(h_ref, p_ref, o_ref):
        o_ref[...] = h_ref[...] * p_ref[...]

    return pl.pallas_call(
        body,
        grid=(n // BR,),
        in_specs=[_row_spec(h), _row_spec(1)],
        out_specs=_row_spec(h),
        out_shape=jax.ShapeDtypeStruct((n, h), jnp.float32),
    )(h2, probs)




def kernel(x, edge_index, W1, b1, W2, b2, att_w):
    n, d = x.shape
    h = W1.shape[1]
    e = edge_index.shape[1]
    src = edge_index[0]
    dst = edge_index[1]
    r = _pad_rows(n)

    zeros16 = jnp.zeros((r, 16), jnp.float32)
    ones16 = jnp.ones((CH, 16), jnp.float32)
    zrows = jnp.zeros((r, h), jnp.float32)
    b1r = b1.reshape(1, h)
    b2r = b2.reshape(1, h)

    degp = _make_deg_kernel(n, e)(dst, zeros16, ones16)
    dinv = _tc_dinv(degp, n)
    g1 = _tc_first(x, W1, dinv)
    acc1p = _make_scatter_kernel(n, e, h)(g1, src, dst, zrows)
    acc1 = _tc_accsum(acc1p, n, h)
    g2 = _tc_mid(acc1, g1, dinv, b1r, W2)
    acc2p = _make_scatter_kernel(n, e, h)(g2, src, dst, zrows)
    acc2 = _tc_accsum(acc2p, n, h)
    h2 = _tc_h2(acc2, g2, dinv, b2r)
    scores = _tc_scores(h2, att_w)
    probs = _tc_probs(scores)
    attended = _tc_attend(h2, probs)
    return (attended, probs.reshape(n))

# --- scband reference (transcript-rebuilt; emitter-appended) ---
"""Pipeline reference for scband-gnnencoder-24283745091695 (READ-ONLY COPY).

The authoritative reference and input builder live on the scoring server;
editing this copy changes nothing except your own understanding.
"""

import jax, jax.numpy as jnp
import numpy as np

N = 10000
E = 320000
D = 128
H = 128


def _glorot(key, shape):
    fan_in, fan_out = shape[0], shape[1]
    limit = np.sqrt(6.0 / (fan_in + fan_out))
    return jax.random.uniform(key, shape, dtype=jnp.float32, minval=-limit, maxval=limit)


def setup_inputs(seed: int = 0) -> dict:
    key = jax.random.key(seed)
    ks = jax.random.split(key, 8)
    x = jax.random.normal(ks[0], (N, D), dtype=jnp.float32)
    edge_index = jax.random.randint(ks[1], (2, E), 0, N, dtype=jnp.int32)
    W1 = _glorot(ks[2], (D, H))
    b1 = jnp.zeros((H,), dtype=jnp.float32)
    W2 = _glorot(ks[3], (H, H))
    b2 = jnp.zeros((H,), dtype=jnp.float32)
    att_w = _glorot(ks[4], (H, 1))
    return {"x": x, "edge_index": edge_index, "W1": W1, "b1": b1, "W2": W2, "b2": b2, "att_w": att_w}


def _gcn_layer(x, edge_index, W, b):
    # PyG GCNConv with add_self_loops=True and symmetric normalization
    src = edge_index[0]
    dst = edge_index[1]
    loop = jnp.arange(N, dtype=src.dtype)
    src = jnp.concatenate([src, loop])
    dst = jnp.concatenate([dst, loop])
    deg = jnp.zeros((N,), dtype=jnp.float32).at[dst].add(1.0)
    dinv = jnp.where(deg > 0, jax.lax.rsqrt(jnp.maximum(deg, 1e-12)), 0.0)
    norm = dinv[src] * dinv[dst]
    h = x @ W
    msg = jnp.take(h, src, axis=0) * norm[:, None]
    out = jnp.zeros((N, W.shape[1]), dtype=jnp.float32).at[dst].add(msg)
    return out + b


def reference(x, edge_index, W1, b1, W2, b2, att_w):
    # Layer 1 (dropout is a no-op in eval mode)
    h = jax.nn.relu(_gcn_layer(x, edge_index, W1, b1))
    # Layer 2
    h = jax.nn.relu(_gcn_layer(h, edge_index, W2, b2))
    # Attention module: softmax over all nodes (dim=0)
    scores = (h @ att_w).squeeze(-1)
    probs = jax.nn.softmax(scores, axis=0)
    attended = h * probs[:, None]
    return (attended, probs)

if __name__ == "__main__":
    import jax
    _d = setup_inputs()
    print(jax.jit(kernel)(*tuple(_d.values())))

</pallas_src>

<mosaic_0001>
#map = affine_map<(d0, d1) -> (0, 0)>
#map1 = affine_map<(d0, d1) -> (0)>
#map2 = affine_map<(d0, d1) -> (0, 0, 0)>
module attributes {stable_mosaic.version = 14 : i64} {
  func.func @body(%arg0: i32, %arg1: i32, %arg2: memref<10000x128xf32, #tpu.memory_space<hbm>>, %arg3: memref<320000xi32, #tpu.memory_space<hbm>>, %arg4: memref<320000xi32, #tpu.memory_space<hbm>>, %arg5: memref<632x128xf32, #tpu.memory_space<hbm>>, %arg6: memref<2x10112x128xf32, #tpu.memory_space<hbm>>, %arg7: memref<10112x128xf32, #tpu.memory_space<vmem_shared>>, %arg8: memref<80xi32, #tpu.memory_space<vmem>>, %arg9: memref<80xi32, #tpu.memory_space<vmem>>, %arg10: memref<80x128xf32, #tpu.memory_space<vmem>>, %arg11: memref<!tpu.dma_semaphore, #tpu.memory_space<semaphore_mem>>) attributes {dimension_semantics = [#tpu.dimension_semantics<core_parallel>, #tpu.dimension_semantics<subcore_parallel>], iteration_bounds = array<i64: 2, 16>, scalar_prefetch = 0 : i64, scratch_operands = 5 : i64, tpu.core_type = #tpu.core_type<sc_vector_subcore>, window_params = [{transform_indices = #map}, {transform_indices = #map1}, {transform_indices = #map1}, {transform_indices = #map}, {transform_indices = #map2}]} {
    %mul3A = arith.constant 16 : i32
    %mul3A_0 = arith.muli %arg0, %mul3A : i32
    %add3A = arith.addi %mul3A_0, %arg1 : i32
    %mul3A_1 = arith.constant 632 : i32
    %mul3A_2 = arith.muli %arg1, %mul3A_1 : i32
    "tpu.region"() ({
      %run_scoped3A = tpu.sem_alloc : memref<!tpu.dma_semaphore, #tpu.memory_space<semaphore_mem>>
      %dma_start3A = arith.constant 0 : i32
      %dma_start3A_13 = tpu.memref_slice %arg7[%mul3A_2, %dma_start3A] : memref<10112x128xf32, #tpu.memory_space<vmem_shared>> -> memref<632x128xf32, #tpu.memory_space<vmem_shared>>
      tpu.enqueue_dma source(%arg5 : memref<632x128xf32, #tpu.memory_space<hbm>>) target(%dma_start3A_13 : memref<632x128xf32, #tpu.memory_space<vmem_shared>>) target_semaphore(%run_scoped3A : memref<!tpu.dma_semaphore, #tpu.memory_space<semaphore_mem>>)
      %dma_wait3A = arith.constant 0 : i32
      %dma_wait3A_14 = tpu.memref_slice %arg7[%mul3A_2, %dma_wait3A] : memref<10112x128xf32, #tpu.memory_space<vmem_shared>> -> memref<632x128xf32, #tpu.memory_space<vmem_shared>>
      tpu.wait_dma2 semaphore(%run_scoped3A : memref<!tpu.dma_semaphore, #tpu.memory_space<semaphore_mem>>) src(%arg5 : memref<632x128xf32, #tpu.memory_space<hbm>>) dst(%dma_wait3A_14 : memref<632x128xf32, #tpu.memory_space<vmem_shared>>)
      tpu.yield
    }) : () -> ()
    %barrier3A = arith.constant 0 : index
    tpu.barrier barrier_id(%barrier3A)
    %scan3A = arith.constant 0 : i32
    %scan3A_3 = arith.constant 0 : i32
    %scan3A_4 = arith.constant 125 : i32
    %scan3A_5 = arith.addi %scan3A_3, %scan3A_4 : i32
    %scan3A_6 = arith.constant 1 : i32
    scf.for %scan3A_13 = %scan3A_3 to %scan3A_5 step %scan3A_6  : i32 {
      %mul3A_14 = arith.constant 10000 : i32
      %mul3A_15 = arith.muli %add3A, %mul3A_14 : i32
      %mul3A_16 = arith.constant 80 : i32
      %mul3A_17 = arith.muli %scan3A_13, %mul3A_16 : i32
      %add3A_18 = arith.addi %mul3A_15, %mul3A_17 : i32
      "tpu.region"() ({
        %run_scoped3A = tpu.sem_alloc : memref<!tpu.dma_semaphore, #tpu.memory_space<semaphore_mem>>
        %dma_start3A_23 = tpu.memref_slice %arg3[%add3A_18] : memref<320000xi32, #tpu.memory_space<hbm>> -> memref<80xi32, #tpu.memory_space<hbm>>
        %dma_start3A_24 = tpu.memref_slice %arg3[%add3A_18] : memref<320000xi32, #tpu.memory_space<hbm>> -> memref<80xi32, #tpu.memory_space<hbm>>
        tpu.enqueue_dma source(%dma_start3A_24 : memref<80xi32, #tpu.memory_space<hbm>>) target(%arg8 : memref<80xi32, #tpu.memory_space<vmem>>) target_semaphore(%run_scoped3A : memref<!tpu.dma_semaphore, #tpu.memory_space<semaphore_mem>>)
        %dma_wait3A_25 = tpu.memref_slice %arg3[%add3A_18] : memref<320000xi32, #tpu.memory_space<hbm>> -> memref<80xi32, #tpu.memory_space<hbm>>
        %dma_wait3A_26 = tpu.memref_slice %arg3[%add3A_18] : memref<320000xi32, #tpu.memory_space<hbm>> -> memref<80xi32, #tpu.memory_space<hbm>>
        tpu.wait_dma2 semaphore(%run_scoped3A : memref<!tpu.dma_semaphore, #tpu.memory_space<semaphore_mem>>) src(%dma_wait3A_26 : memref<80xi32, #tpu.memory_space<hbm>>) dst(%arg8 : memref<80xi32, #tpu.memory_space<vmem>>)
        tpu.yield
      }) : () -> ()
      "tpu.region"() ({
        %run_scoped3A = tpu.sem_alloc : memref<!tpu.dma_semaphore, #tpu.memory_space<semaphore_mem>>
        %dma_start3A_23 = tpu.memref_slice %arg4[%add3A_18] : memref<320000xi32, #tpu.memory_space<hbm>> -> memref<80xi32, #tpu.memory_space<hbm>>
        %dma_start3A_24 = tpu.memref_slice %arg4[%add3A_18] : memref<320000xi32, #tpu.memory_space<hbm>> -> memref<80xi32, #tpu.memory_space<hbm>>
        tpu.enqueue_dma source(%dma_start3A_24 : memref<80xi32, #tpu.memory_space<hbm>>) target(%arg9 : memref<80xi32, #tpu.memory_space<vmem>>) target_semaphore(%run_scoped3A : memref<!tpu.dma_semaphore, #tpu.memory_space<semaphore_mem>>)
        %dma_wait3A_25 = tpu.memref_slice %arg4[%add3A_18] : memref<320000xi32, #tpu.memory_space<hbm>> -> memref<80xi32, #tpu.memory_space<hbm>>
        %dma_wait3A_26 = tpu.memref_slice %arg4[%add3A_18] : memref<320000xi32, #tpu.memory_space<hbm>> -> memref<80xi32, #tpu.memory_space<hbm>>
        tpu.wait_dma2 semaphore(%run_scoped3A : memref<!tpu.dma_semaphore, #tpu.memory_space<semaphore_mem>>) src(%dma_wait3A_26 : memref<80xi32, #tpu.memory_space<hbm>>) dst(%arg9 : memref<80xi32, #tpu.memory_space<vmem>>)
        tpu.yield
      }) : () -> ()
      %dma_start3A = arith.constant 0 : i32
      %dma_start3A_19 = arith.constant 0 : i32
      %dma_start3A_20 = tpu.memref_slice %arg2[%dma_start3A, %dma_start3A_19] : memref<10000x128xf32, #tpu.memory_space<hbm>> -> memref<10000x128xf32, #tpu.memory_space<hbm>>
      tpu.enqueue_indirect_dma source(%dma_start3A_20 : memref<10000x128xf32, #tpu.memory_space<hbm>>) target(%arg10 : memref<80x128xf32, #tpu.memory_space<vmem>>) offsets(%arg8 : memref<80xi32, #tpu.memory_space<vmem>>) semaphore(%arg11 : memref<!tpu.dma_semaphore, #tpu.memory_space<semaphore_mem>>)
      %dma_wait3A = arith.constant 0 : i32
      %dma_wait3A_21 = arith.constant 0 : i32
      %dma_wait3A_22 = tpu.memref_slice %arg2[%dma_wait3A, %dma_wait3A_21] : memref<10000x128xf32, #tpu.memory_space<hbm>> -> memref<10000x128xf32, #tpu.memory_space<hbm>>
      tpu.wait_indirect_dma semaphore(%arg11 : memref<!tpu.dma_semaphore, #tpu.memory_space<semaphore_mem>>) src(%dma_wait3A_22 : memref<10000x128xf32, #tpu.memory_space<hbm>>) dst(%arg10 : memref<80x128xf32, #tpu.memory_space<vmem>>)
      "tpu.region"() ({
        %run_scoped3A = tpu.sem_alloc : memref<!tpu.dma_semaphore, #tpu.memory_space<semaphore_mem>>
        %dma_start3A_23 = arith.constant 0 : i32
        %dma_start3A_24 = arith.constant 0 : i32
        %dma_start3A_25 = tpu.memref_slice %arg7[%dma_start3A_23, %dma_start3A_24] : memref<10112x128xf32, #tpu.memory_space<vmem_shared>> -> memref<10112x128xf32, #tpu.memory_space<vmem_shared>>
        tpu.enqueue_indirect_dma source(%arg10 : memref<80x128xf32, #tpu.memory_space<vmem>>) target(%dma_start3A_25 : memref<10112x128xf32, #tpu.memory_space<vmem_shared>>) offsets(%arg9 : memref<80xi32, #tpu.memory_space<vmem>>) semaphore(%run_scoped3A : memref<!tpu.dma_semaphore, #tpu.memory_space<semaphore_mem>>) {add = true}
        %dma_wait3A_26 = arith.constant 0 : i32
        %dma_wait3A_27 = arith.constant 0 : i32
        %dma_wait3A_28 = tpu.memref_slice %arg7[%dma_wait3A_26, %dma_wait3A_27] : memref<10112x128xf32, #tpu.memory_space<vmem_shared>> -> memref<10112x128xf32, #tpu.memory_space<vmem_shared>>
        tpu.wait_indirect_dma semaphore(%run_scoped3A : memref<!tpu.dma_semaphore, #tpu.memory_space<semaphore_mem>>) src(%arg10 : memref<80x128xf32, #tpu.memory_space<vmem>>) dst(%dma_wait3A_28 : memref<10112x128xf32, #tpu.memory_space<vmem_shared>>)
        tpu.yield
      }) : () -> ()
    }
    %scan3A_7 = arith.constant 125 : i32
    %barrier3A_8 = arith.constant 0 : index
    tpu.barrier barrier_id(%barrier3A_8)
    %mul3A_9 = arith.constant 632 : i32
    %mul3A_10 = arith.muli %arg1, %mul3A_9 : i32
    %mul3A_11 = arith.constant 632 : i32
    %mul3A_12 = arith.muli %arg1, %mul3A_11 : i32
    "tpu.region"() ({
      %run_scoped3A = tpu.sem_alloc : memref<!tpu.dma_semaphore, #tpu.memory_space<semaphore_mem>>
      %dma_start3A = arith.constant 0 : i32
      %dma_start3A_13 = tpu.memref_slice %arg6[%arg0, %mul3A_12, %dma_start3A] : memref<2x10112x128xf32, #tpu.memory_space<hbm>> -> memref<1x632x128xf32, #tpu.memory_space<hbm>>
      %dma_start3A_14 = tpu.memref_squeeze %dma_start3A_13 : memref<1x632x128xf32, #tpu.memory_space<hbm>> -> memref<632x128xf32, #tpu.memory_space<hbm>>
      %dma_start3A_15 = arith.constant 0 : i32
      %dma_start3A_16 = tpu.memref_slice %arg7[%mul3A_10, %dma_start3A_15] : memref<10112x128xf32, #tpu.memory_space<vmem_shared>> -> memref<632x128xf32, #tpu.memory_space<vmem_shared>>
      tpu.enqueue_dma source(%dma_start3A_16 : memref<632x128xf32, #tpu.memory_space<vmem_shared>>) target(%dma_start3A_14 : memref<632x128xf32, #tpu.memory_space<hbm>>) target_semaphore(%run_scoped3A : memref<!tpu.dma_semaphore, #tpu.memory_space<semaphore_mem>>)
      %dma_wait3A = arith.constant 0 : i32
      %dma_wait3A_17 = tpu.memref_slice %arg6[%arg0, %mul3A_12, %dma_wait3A] : memref<2x10112x128xf32, #tpu.memory_space<hbm>> -> memref<1x632x128xf32, #tpu.memory_space<hbm>>
      %dma_wait3A_18 = tpu.memref_squeeze %dma_wait3A_17 : memref<1x632x128xf32, #tpu.memory_space<hbm>> -> memref<632x128xf32, #tpu.memory_space<hbm>>
      %dma_wait3A_19 = arith.constant 0 : i32
      %dma_wait3A_20 = tpu.memref_slice %arg7[%mul3A_10, %dma_wait3A_19] : memref<10112x128xf32, #tpu.memory_space<vmem_shared>> -> memref<632x128xf32, #tpu.memory_space<vmem_shared>>
      tpu.wait_dma2 semaphore(%run_scoped3A : memref<!tpu.dma_semaphore, #tpu.memory_space<semaphore_mem>>) src(%dma_wait3A_20 : memref<632x128xf32, #tpu.memory_space<vmem_shared>>) dst(%dma_wait3A_18 : memref<632x128xf32, #tpu.memory_space<hbm>>)
      tpu.yield
    }) : () -> ()
    return
  }
}

#map = affine_map<(d0, d1) -> (0)>
#map1 = affine_map<(d0, d1) -> (0, 0)>
#map2 = affine_map<(d0, d1) -> (0, 0, 0)>
module attributes {stable_mosaic.version = 14 : i64} {
  func.func @body(%arg0: i32, %arg1: i32, %arg2: memref<320000xi32, #tpu.memory_space<hbm>>, %arg3: memref<632x16xf32, #tpu.memory_space<hbm>>, %arg4: memref<80x16xf32, #tpu.memory_space<hbm>>, %arg5: memref<2x10112x16xf32, #tpu.memory_space<hbm>>, %arg6: memref<10112x16xf32, #tpu.memory_space<vmem_shared>>, %arg7: memref<80xi32, #tpu.memory_space<vmem>>, %arg8: memref<80x16xf32, #tpu.memory_space<vmem>>, %arg9: memref<!tpu.dma_semaphore, #tpu.memory_space<semaphore_mem>>) attributes {dimension_semantics = [#tpu.dimension_semantics<core_parallel>, #tpu.dimension_semantics<subcore_parallel>], iteration_bounds = array<i64: 2, 16>, scalar_prefetch = 0 : i64, scratch_operands = 4 : i64, tpu.core_type = #tpu.core_type<sc_vector_subcore>, window_params = [{transform_indices = #map}, {transform_indices = #map1}, {transform_indices = #map1}, {transform_indices = #map2}]} {
    %mul3A = arith.constant 16 : i32
    %mul3A_0 = arith.muli %arg0, %mul3A : i32
    %add3A = arith.addi %mul3A_0, %arg1 : i32
    "tpu.region"() ({
      %run_scoped3A = tpu.sem_alloc : memref<!tpu.dma_semaphore, #tpu.memory_space<semaphore_mem>>
      tpu.enqueue_dma source(%arg4 : memref<80x16xf32, #tpu.memory_space<hbm>>) target(%arg8 : memref<80x16xf32, #tpu.memory_space<vmem>>) target_semaphore(%run_scoped3A : memref<!tpu.dma_semaphore, #tpu.memory_space<semaphore_mem>>)
      tpu.wait_dma2 semaphore(%run_scoped3A : memref<!tpu.dma_semaphore, #tpu.memory_space<semaphore_mem>>) src(%arg4 : memref<80x16xf32, #tpu.memory_space<hbm>>) dst(%arg8 : memref<80x16xf32, #tpu.memory_space<vmem>>)
      tpu.yield
    }) : () -> ()
    %mul3A_1 = arith.constant 632 : i32
    %mul3A_2 = arith.muli %arg1, %mul3A_1 : i32
    "tpu.region"() ({
      %run_scoped3A = tpu.sem_alloc : memref<!tpu.dma_semaphore, #tpu.memory_space<semaphore_mem>>
      %dma_start3A = arith.constant 0 : i32
      %dma_start3A_13 = tpu.memref_slice %arg6[%mul3A_2, %dma_start3A] : memref<10112x16xf32, #tpu.memory_space<vmem_shared>> -> memref<632x16xf32, #tpu.memory_space<vmem_shared>>
      tpu.enqueue_dma source(%arg3 : memref<632x16xf32, #tpu.memory_space<hbm>>) target(%dma_start3A_13 : memref<632x16xf32, #tpu.memory_space<vmem_shared>>) target_semaphore(%run_scoped3A : memref<!tpu.dma_semaphore, #tpu.memory_space<semaphore_mem>>)
      %dma_wait3A = arith.constant 0 : i32
      %dma_wait3A_14 = tpu.memref_slice %arg6[%mul3A_2, %dma_wait3A] : memref<10112x16xf32, #tpu.memory_space<vmem_shared>> -> memref<632x16xf32, #tpu.memory_space<vmem_shared>>
      tpu.wait_dma2 semaphore(%run_scoped3A : memref<!tpu.dma_semaphore, #tpu.memory_space<semaphore_mem>>) src(%arg3 : memref<632x16xf32, #tpu.memory_space<hbm>>) dst(%dma_wait3A_14 : memref<632x16xf32, #tpu.memory_space<vmem_shared>>)
      tpu.yield
    }) : () -> ()
    %barrier3A = arith.constant 0 : index
    tpu.barrier barrier_id(%barrier3A)
    %scan3A = arith.constant 0 : i32
    %scan3A_3 = arith.constant 0 : i32
    %scan3A_4 = arith.constant 125 : i32
    %scan3A_5 = arith.addi %scan3A_3, %scan3A_4 : i32
    %scan3A_6 = arith.constant 1 : i32
    scf.for %scan3A_13 = %scan3A_3 to %scan3A_5 step %scan3A_6  : i32 {
      %mul3A_14 = arith.constant 10000 : i32
      %mul3A_15 = arith.muli %add3A, %mul3A_14 : i32
      %mul3A_16 = arith.constant 80 : i32
      %mul3A_17 = arith.muli %scan3A_13, %mul3A_16 : i32
      %add3A_18 = arith.addi %mul3A_15, %mul3A_17 : i32
      "tpu.region"() ({
        %run_scoped3A = tpu.sem_alloc : memref<!tpu.dma_semaphore, #tpu.memory_space<semaphore_mem>>
        %dma_start3A = tpu.memref_slice %arg2[%add3A_18] : memref<320000xi32, #tpu.memory_space<hbm>> -> memref<80xi32, #tpu.memory_space<hbm>>
        %dma_start3A_19 = tpu.memref_slice %arg2[%add3A_18] : memref<320000xi32, #tpu.memory_space<hbm>> -> memref<80xi32, #tpu.memory_space<hbm>>
        tpu.enqueue_dma source(%dma_start3A_19 : memref<80xi32, #tpu.memory_space<hbm>>) target(%arg7 : memref<80xi32, #tpu.memory_space<vmem>>) target_semaphore(%run_scoped3A : memref<!tpu.dma_semaphore, #tpu.memory_space<semaphore_mem>>)
        %dma_wait3A = tpu.memref_slice %arg2[%add3A_18] : memref<320000xi32, #tpu.memory_space<hbm>> -> memref<80xi32, #tpu.memory_space<hbm>>
        %dma_wait3A_20 = tpu.memref_slice %arg2[%add3A_18] : memref<320000xi32, #tpu.memory_space<hbm>> -> memref<80xi32, #tpu.memory_space<hbm>>
        tpu.wait_dma2 semaphore(%run_scoped3A : memref<!tpu.dma_semaphore, #tpu.memory_space<semaphore_mem>>) src(%dma_wait3A_20 : memref<80xi32, #tpu.memory_space<hbm>>) dst(%arg7 : memref<80xi32, #tpu.memory_space<vmem>>)
        tpu.yield
      }) : () -> ()
      "tpu.region"() ({
        %run_scoped3A = tpu.sem_alloc : memref<!tpu.dma_semaphore, #tpu.memory_space<semaphore_mem>>
        %dma_start3A = arith.constant 0 : i32
        %dma_start3A_19 = arith.constant 0 : i32
        %dma_start3A_20 = tpu.memref_slice %arg6[%dma_start3A, %dma_start3A_19] : memref<10112x16xf32, #tpu.memory_space<vmem_shared>> -> memref<10112x16xf32, #tpu.memory_space<vmem_shared>>
        tpu.enqueue_indirect_dma source(%arg8 : memref<80x16xf32, #tpu.memory_space<vmem>>) target(%dma_start3A_20 : memref<10112x16xf32, #tpu.memory_space<vmem_shared>>) offsets(%arg7 : memref<80xi32, #tpu.memory_space<vmem>>) semaphore(%run_scoped3A : memref<!tpu.dma_semaphore, #tpu.memory_space<semaphore_mem>>) {add = true}
        %dma_wait3A = arith.constant 0 : i32
        %dma_wait3A_21 = arith.constant 0 : i32
        %dma_wait3A_22 = tpu.memref_slice %arg6[%dma_wait3A, %dma_wait3A_21] : memref<10112x16xf32, #tpu.memory_space<vmem_shared>> -> memref<10112x16xf32, #tpu.memory_space<vmem_shared>>
        tpu.wait_indirect_dma semaphore(%run_scoped3A : memref<!tpu.dma_semaphore, #tpu.memory_space<semaphore_mem>>) src(%arg8 : memref<80x16xf32, #tpu.memory_space<vmem>>) dst(%dma_wait3A_22 : memref<10112x16xf32, #tpu.memory_space<vmem_shared>>)
        tpu.yield
      }) : () -> ()
    }
    %scan3A_7 = arith.constant 125 : i32
    %barrier3A_8 = arith.constant 0 : index
    tpu.barrier barrier_id(%barrier3A_8)
    %mul3A_9 = arith.constant 632 : i32
    %mul3A_10 = arith.muli %arg1, %mul3A_9 : i32
    %mul3A_11 = arith.constant 632 : i32
    %mul3A_12 = arith.muli %arg1, %mul3A_11 : i32
    "tpu.region"() ({
      %run_scoped3A = tpu.sem_alloc : memref<!tpu.dma_semaphore, #tpu.memory_space<semaphore_mem>>
      %dma_start3A = arith.constant 0 : i32
      %dma_start3A_13 = tpu.memref_slice %arg5[%arg0, %mul3A_12, %dma_start3A] : memref<2x10112x16xf32, #tpu.memory_space<hbm>> -> memref<1x632x16xf32, #tpu.memory_space<hbm>>
      %dma_start3A_14 = tpu.memref_squeeze %dma_start3A_13 : memref<1x632x16xf32, #tpu.memory_space<hbm>> -> memref<632x16xf32, #tpu.memory_space<hbm>>
      %dma_start3A_15 = arith.constant 0 : i32
      %dma_start3A_16 = tpu.memref_slice %arg6[%mul3A_10, %dma_start3A_15] : memref<10112x16xf32, #tpu.memory_space<vmem_shared>> -> memref<632x16xf32, #tpu.memory_space<vmem_shared>>
      tpu.enqueue_dma source(%dma_start3A_16 : memref<632x16xf32, #tpu.memory_space<vmem_shared>>) target(%dma_start3A_14 : memref<632x16xf32, #tpu.memory_space<hbm>>) target_semaphore(%run_scoped3A : memref<!tpu.dma_semaphore, #tpu.memory_space<semaphore_mem>>)
      %dma_wait3A = arith.constant 0 : i32
      %dma_wait3A_17 = tpu.memref_slice %arg5[%arg0, %mul3A_12, %dma_wait3A] : memref<2x10112x16xf32, #tpu.memory_space<hbm>> -> memref<1x632x16xf32, #tpu.memory_space<hbm>>
      %dma_wait3A_18 = tpu.memref_squeeze %dma_wait3A_17 : memref<1x632x16xf32, #tpu.memory_space<hbm>> -> memref<632x16xf32, #tpu.memory_space<hbm>>
      %dma_wait3A_19 = arith.constant 0 : i32
      %dma_wait3A_20 = tpu.memref_slice %arg6[%mul3A_10, %dma_wait3A_19] : memref<10112x16xf32, #tpu.memory_space<vmem_shared>> -> memref<632x16xf32, #tpu.memory_space<vmem_shared>>
      tpu.wait_dma2 semaphore(%run_scoped3A : memref<!tpu.dma_semaphore, #tpu.memory_space<semaphore_mem>>) src(%dma_wait3A_20 : memref<632x16xf32, #tpu.memory_space<vmem_shared>>) dst(%dma_wait3A_18 : memref<632x16xf32, #tpu.memory_space<hbm>>)
      tpu.yield
    }) : () -> ()
    return
  }
}

#map = affine_map<(d0, d1) -> (0, 0)>
#map1 = affine_map<(d0, d1) -> (0)>
#map2 = affine_map<(d0, d1) -> (0, 0, 0)>
module attributes {stable_mosaic.version = 14 : i64} {
  func.func @body(%arg0: i32, %arg1: i32, %arg2: memref<10000x128xf32, #tpu.memory_space<hbm>>, %arg3: memref<320000xi32, #tpu.memory_space<hbm>>, %arg4: memref<320000xi32, #tpu.memory_space<hbm>>, %arg5: memref<632x128xf32, #tpu.memory_space<hbm>>, %arg6: memref<2x10112x128xf32, #tpu.memory_space<hbm>>, %arg7: memref<10112x128xf32, #tpu.memory_space<vmem_shared>>, %arg8: memref<80xi32, #tpu.memory_space<vmem>>, %arg9: memref<80xi32, #tpu.memory_space<vmem>>, %arg10: memref<80x128xf32, #tpu.memory_space<vmem>>, %arg11: memref<!tpu.dma_semaphore, #tpu.memory_space<semaphore_mem>>) attributes {dimension_semantics = [#tpu.dimension_semantics<core_parallel>, #tpu.dimension_semantics<subcore_parallel>], iteration_bounds = array<i64: 2, 16>, scalar_prefetch = 0 : i64, scratch_operands = 5 : i64, tpu.core_type = #tpu.core_type<sc_vector_subcore>, window_params = [{transform_indices = #map}, {transform_indices = #map1}, {transform_indices = #map1}, {transform_indices = #map}, {transform_indices = #map2}]} {
    %mul3A = arith.constant 16 : i32
    %mul3A_0 = arith.muli %arg0, %mul3A : i32
    %add3A = arith.addi %mul3A_0, %arg1 : i32
    %mul3A_1 = arith.constant 632 : i32
    %mul3A_2 = arith.muli %arg1, %mul3A_1 : i32
    "tpu.region"() ({
      %run_scoped3A = tpu.sem_alloc : memref<!tpu.dma_semaphore, #tpu.memory_space<semaphore_mem>>
      %dma_start3A = arith.constant 0 : i32
      %dma_start3A_13 = tpu.memref_slice %arg7[%mul3A_2, %dma_start3A] : memref<10112x128xf32, #tpu.memory_space<vmem_shared>> -> memref<632x128xf32, #tpu.memory_space<vmem_shared>>
      tpu.enqueue_dma source(%arg5 : memref<632x128xf32, #tpu.memory_space<hbm>>) target(%dma_start3A_13 : memref<632x128xf32, #tpu.memory_space<vmem_shared>>) target_semaphore(%run_scoped3A : memref<!tpu.dma_semaphore, #tpu.memory_space<semaphore_mem>>)
      %dma_wait3A = arith.constant 0 : i32
      %dma_wait3A_14 = tpu.memref_slice %arg7[%mul3A_2, %dma_wait3A] : memref<10112x128xf32, #tpu.memory_space<vmem_shared>> -> memref<632x128xf32, #tpu.memory_space<vmem_shared>>
      tpu.wait_dma2 semaphore(%run_scoped3A : memref<!tpu.dma_semaphore, #tpu.memory_space<semaphore_mem>>) src(%arg5 : memref<632x128xf32, #tpu.memory_space<hbm>>) dst(%dma_wait3A_14 : memref<632x128xf32, #tpu.memory_space<vmem_shared>>)
      tpu.yield
    }) : () -> ()
    %barrier3A = arith.constant 0 : index
    tpu.barrier barrier_id(%barrier3A)
    %scan3A = arith.constant 0 : i32
    %scan3A_3 = arith.constant 0 : i32
    %scan3A_4 = arith.constant 125 : i32
    %scan3A_5 = arith.addi %scan3A_3, %scan3A_4 : i32
    %scan3A_6 = arith.constant 1 : i32
    scf.for %scan3A_13 = %scan3A_3 to %scan3A_5 step %scan3A_6  : i32 {
      %mul3A_14 = arith.constant 10000 : i32
      %mul3A_15 = arith.muli %add3A, %mul3A_14 : i32
      %mul3A_16 = arith.constant 80 : i32
      %mul3A_17 = arith.muli %scan3A_13, %mul3A_16 : i32
      %add3A_18 = arith.addi %mul3A_15, %mul3A_17 : i32
      "tpu.region"() ({
        %run_scoped3A = tpu.sem_alloc : memref<!tpu.dma_semaphore, #tpu.memory_space<semaphore_mem>>
        %dma_start3A_23 = tpu.memref_slice %arg3[%add3A_18] : memref<320000xi32, #tpu.memory_space<hbm>> -> memref<80xi32, #tpu.memory_space<hbm>>
        %dma_start3A_24 = tpu.memref_slice %arg3[%add3A_18] : memref<320000xi32, #tpu.memory_space<hbm>> -> memref<80xi32, #tpu.memory_space<hbm>>
        tpu.enqueue_dma source(%dma_start3A_24 : memref<80xi32, #tpu.memory_space<hbm>>) target(%arg8 : memref<80xi32, #tpu.memory_space<vmem>>) target_semaphore(%run_scoped3A : memref<!tpu.dma_semaphore, #tpu.memory_space<semaphore_mem>>)
        %dma_wait3A_25 = tpu.memref_slice %arg3[%add3A_18] : memref<320000xi32, #tpu.memory_space<hbm>> -> memref<80xi32, #tpu.memory_space<hbm>>
        %dma_wait3A_26 = tpu.memref_slice %arg3[%add3A_18] : memref<320000xi32, #tpu.memory_space<hbm>> -> memref<80xi32, #tpu.memory_space<hbm>>
        tpu.wait_dma2 semaphore(%run_scoped3A : memref<!tpu.dma_semaphore, #tpu.memory_space<semaphore_mem>>) src(%dma_wait3A_26 : memref<80xi32, #tpu.memory_space<hbm>>) dst(%arg8 : memref<80xi32, #tpu.memory_space<vmem>>)
        tpu.yield
      }) : () -> ()
      "tpu.region"() ({
        %run_scoped3A = tpu.sem_alloc : memref<!tpu.dma_semaphore, #tpu.memory_space<semaphore_mem>>
        %dma_start3A_23 = tpu.memref_slice %arg4[%add3A_18] : memref<320000xi32, #tpu.memory_space<hbm>> -> memref<80xi32, #tpu.memory_space<hbm>>
        %dma_start3A_24 = tpu.memref_slice %arg4[%add3A_18] : memref<320000xi32, #tpu.memory_space<hbm>> -> memref<80xi32, #tpu.memory_space<hbm>>
        tpu.enqueue_dma source(%dma_start3A_24 : memref<80xi32, #tpu.memory_space<hbm>>) target(%arg9 : memref<80xi32, #tpu.memory_space<vmem>>) target_semaphore(%run_scoped3A : memref<!tpu.dma_semaphore, #tpu.memory_space<semaphore_mem>>)
        %dma_wait3A_25 = tpu.memref_slice %arg4[%add3A_18] : memref<320000xi32, #tpu.memory_space<hbm>> -> memref<80xi32, #tpu.memory_space<hbm>>
        %dma_wait3A_26 = tpu.memref_slice %arg4[%add3A_18] : memref<320000xi32, #tpu.memory_space<hbm>> -> memref<80xi32, #tpu.memory_space<hbm>>
        tpu.wait_dma2 semaphore(%run_scoped3A : memref<!tpu.dma_semaphore, #tpu.memory_space<semaphore_mem>>) src(%dma_wait3A_26 : memref<80xi32, #tpu.memory_space<hbm>>) dst(%arg9 : memref<80xi32, #tpu.memory_space<vmem>>)
        tpu.yield
      }) : () -> ()
      %dma_start3A = arith.constant 0 : i32
      %dma_start3A_19 = arith.constant 0 : i32
      %dma_start3A_20 = tpu.memref_slice %arg2[%dma_start3A, %dma_start3A_19] : memref<10000x128xf32, #tpu.memory_space<hbm>> -> memref<10000x128xf32, #tpu.memory_space<hbm>>
      tpu.enqueue_indirect_dma source(%dma_start3A_20 : memref<10000x128xf32, #tpu.memory_space<hbm>>) target(%arg10 : memref<80x128xf32, #tpu.memory_space<vmem>>) offsets(%arg8 : memref<80xi32, #tpu.memory_space<vmem>>) semaphore(%arg11 : memref<!tpu.dma_semaphore, #tpu.memory_space<semaphore_mem>>)
      %dma_wait3A = arith.constant 0 : i32
      %dma_wait3A_21 = arith.constant 0 : i32
      %dma_wait3A_22 = tpu.memref_slice %arg2[%dma_wait3A, %dma_wait3A_21] : memref<10000x128xf32, #tpu.memory_space<hbm>> -> memref<10000x128xf32, #tpu.memory_space<hbm>>
      tpu.wait_indirect_dma semaphore(%arg11 : memref<!tpu.dma_semaphore, #tpu.memory_space<semaphore_mem>>) src(%dma_wait3A_22 : memref<10000x128xf32, #tpu.memory_space<hbm>>) dst(%arg10 : memref<80x128xf32, #tpu.memory_space<vmem>>)
      "tpu.region"() ({
        %run_scoped3A = tpu.sem_alloc : memref<!tpu.dma_semaphore, #tpu.memory_space<semaphore_mem>>
        %dma_start3A_23 = arith.constant 0 : i32
        %dma_start3A_24 = arith.constant 0 : i32
        %dma_start3A_25 = tpu.memref_slice %arg7[%dma_start3A_23, %dma_start3A_24] : memref<10112x128xf32, #tpu.memory_space<vmem_shared>> -> memref<10112x128xf32, #tpu.memory_space<vmem_shared>>
        tpu.enqueue_indirect_dma source(%arg10 : memref<80x128xf32, #tpu.memory_space<vmem>>) target(%dma_start3A_25 : memref<10112x128xf32, #tpu.memory_space<vmem_shared>>) offsets(%arg9 : memref<80xi32, #tpu.memory_space<vmem>>) semaphore(%run_scoped3A : memref<!tpu.dma_semaphore, #tpu.memory_space<semaphore_mem>>) {add = true}
        %dma_wait3A_26 = arith.constant 0 : i32
        %dma_wait3A_27 = arith.constant 0 : i32
        %dma_wait3A_28 = tpu.memref_slice %arg7[%dma_wait3A_26, %dma_wait3A_27] : memref<10112x128xf32, #tpu.memory_space<vmem_shared>> -> memref<10112x128xf32, #tpu.memory_space<vmem_shared>>
        tpu.wait_indirect_dma semaphore(%run_scoped3A : memref<!tpu.dma_semaphore, #tpu.memory_space<semaphore_mem>>) src(%arg10 : memref<80x128xf32, #tpu.memory_space<vmem>>) dst(%dma_wait3A_28 : memref<10112x128xf32, #tpu.memory_space<vmem_shared>>)
        tpu.yield
      }) : () -> ()
    }
    %scan3A_7 = arith.constant 125 : i32
    %barrier3A_8 = arith.constant 0 : index
    tpu.barrier barrier_id(%barrier3A_8)
    %mul3A_9 = arith.constant 632 : i32
    %mul3A_10 = arith.muli %arg1, %mul3A_9 : i32
    %mul3A_11 = arith.constant 632 : i32
    %mul3A_12 = arith.muli %arg1, %mul3A_11 : i32
    "tpu.region"() ({
      %run_scoped3A = tpu.sem_alloc : memref<!tpu.dma_semaphore, #tpu.memory_space<semaphore_mem>>
      %dma_start3A = arith.constant 0 : i32
      %dma_start3A_13 = tpu.memref_slice %arg6[%arg0, %mul3A_12, %dma_start3A] : memref<2x10112x128xf32, #tpu.memory_space<hbm>> -> memref<1x632x128xf32, #tpu.memory_space<hbm>>
      %dma_start3A_14 = tpu.memref_squeeze %dma_start3A_13 : memref<1x632x128xf32, #tpu.memory_space<hbm>> -> memref<632x128xf32, #tpu.memory_space<hbm>>
      %dma_start3A_15 = arith.constant 0 : i32
      %dma_start3A_16 = tpu.memref_slice %arg7[%mul3A_10, %dma_start3A_15] : memref<10112x128xf32, #tpu.memory_space<vmem_shared>> -> memref<632x128xf32, #tpu.memory_space<vmem_shared>>
      tpu.enqueue_dma source(%dma_start3A_16 : memref<632x128xf32, #tpu.memory_space<vmem_shared>>) target(%dma_start3A_14 : memref<632x128xf32, #tpu.memory_space<hbm>>) target_semaphore(%run_scoped3A : memref<!tpu.dma_semaphore, #tpu.memory_space<semaphore_mem>>)
      %dma_wait3A = arith.constant 0 : i32
      %dma_wait3A_17 = tpu.memref_slice %arg6[%arg0, %mul3A_12, %dma_wait3A] : memref<2x10112x128xf32, #tpu.memory_space<hbm>> -> memref<1x632x128xf32, #tpu.memory_space<hbm>>
      %dma_wait3A_18 = tpu.memref_squeeze %dma_wait3A_17 : memref<1x632x128xf32, #tpu.memory_space<hbm>> -> memref<632x128xf32, #tpu.memory_space<hbm>>
      %dma_wait3A_19 = arith.constant 0 : i32
      %dma_wait3A_20 = tpu.memref_slice %arg7[%mul3A_10, %dma_wait3A_19] : memref<10112x128xf32, #tpu.memory_space<vmem_shared>> -> memref<632x128xf32, #tpu.memory_space<vmem_shared>>
      tpu.wait_dma2 semaphore(%run_scoped3A : memref<!tpu.dma_semaphore, #tpu.memory_space<semaphore_mem>>) src(%dma_wait3A_20 : memref<632x128xf32, #tpu.memory_space<vmem_shared>>) dst(%dma_wait3A_18 : memref<632x128xf32, #tpu.memory_space<hbm>>)
      tpu.yield
    }) : () -> ()
    return
  }
}

module attributes {stable_mosaic.version = 14 : i64} {
  func.func @body(%arg0: i32, %arg1: memref<2x1000x16xf32, #tpu.memory_space<vmem>>, %arg2: memref<1000x128xf32, #tpu.memory_space<vmem>>) attributes {dimension_semantics = [#tpu.dimension_semantics<arbitrary>], iteration_bounds = array<i64: 10>, scalar_prefetch = 0 : i64, scratch_operands = 0 : i64, tpu.core_type = #tpu.core_type<tc>, window_params = [{transform_indices = @transform_0, window_bounds = array<i64: 2, 1000, 16>}, {transform_indices = @transform_1, window_bounds = array<i64: 1000, 128>}]} {
    %get3A = arith.constant 0 : index
    %get3A_0 = arith.constant 0 : index
    %get3A_1 = arith.constant 0 : index
    %get3A_2 = vector.load %arg1[%get3A, %get3A_0, %get3A_1] : memref<2x1000x16xf32, #tpu.memory_space<vmem>>, vector<1x1000x1xf32>
    %get3A_3 = vector.shape_cast %get3A_2 : vector<1x1000x1xf32> to vector<1000x1xf32>
    %get3A_4 = arith.constant 1 : index
    %get3A_5 = arith.constant 0 : index
    %get3A_6 = arith.constant 0 : index
    %get3A_7 = vector.load %arg1[%get3A_4, %get3A_5, %get3A_6] : memref<2x1000x16xf32, #tpu.memory_space<vmem>>, vector<1x1000x1xf32>
    %get3A_8 = vector.shape_cast %get3A_7 : vector<1x1000x1xf32> to vector<1000x1xf32>
    %add3A = arith.addf %get3A_3, %get3A_8 : vector<1000x1xf32>
    %add3A_9 = arith.constant 1.000000e+00 : f32
    %add3A_10 = vector.broadcast %add3A_9 : f32 to vector<1000x1xf32>
    %add3A_11 = arith.addf %add3A, %add3A_10 : vector<1000x1xf32>
    %rsqrt3A = math.rsqrt %add3A_11 : vector<1000x1xf32>
    %broadcast_in_dim3A = vector.shape_cast %rsqrt3A : vector<1000x1xf32> to vector<1000x1xf32>
    %broadcast_in_dim3A_12 = vector.broadcast %broadcast_in_dim3A : vector<1000x1xf32> to vector<1000x128xf32>
    %swap3A = arith.constant 0 : index
    %swap3A_13 = arith.constant 0 : index
    %swap3A_14 = vector.load %arg2[%swap3A, %swap3A_13] : memref<1000x128xf32, #tpu.memory_space<vmem>>, vector<1000x128xf32>
    tpu.vector_store %arg2[%swap3A, %swap3A_13], %broadcast_in_dim3A_12 {strides = array<i32>} : memref<1000x128xf32, #tpu.memory_space<vmem>>, vector<1000x128xf32>,
    return
  }
  func.func @transform_0(%arg0: i32) -> (i32, i32, i32) {
    %c0_i32 = arith.constant 0 : i32
    %c0_i32_0 = arith.constant 0 : i32
    %c0_i32_1 = arith.constant 0 : i32
    return %c0_i32, %arg0, %c0_i32_0 : i32, i32, i32
  }
  func.func @transform_1(%arg0: i32) -> (i32, i32) {
    %c0_i32 = arith.constant 0 : i32
    %c0_i32_0 = arith.constant 0 : i32
    return %arg0, %c0_i32 : i32, i32
  }
}

module attributes {stable_mosaic.version = 14 : i64} {
  func.func @body(%arg0: i32, %arg1: memref<1000x128xf32, #tpu.memory_space<vmem>>, %arg2: memref<128x128xf32, #tpu.memory_space<vmem>>, %arg3: memref<1000x128xf32, #tpu.memory_space<vmem>>, %arg4: memref<1000x128xf32, #tpu.memory_space<vmem>>) attributes {dimension_semantics = [#tpu.dimension_semantics<arbitrary>], iteration_bounds = array<i64: 10>, scalar_prefetch = 0 : i64, scratch_operands = 0 : i64, tpu.core_type = #tpu.core_type<tc>, window_params = [{transform_indices = @transform_0, window_bounds = array<i64: 1000, 128>}, {pipeline_mode = #tpu.pipeline_mode<synchronous>, transform_indices = @transform_1, window_bounds = array<i64: 128, 128>}, {transform_indices = @transform_2, window_bounds = array<i64: 1000, 128>}, {transform_indices = @transform_3, window_bounds = array<i64: 1000, 128>}]} {
    %get3A = arith.constant 0 : index
    %get3A_0 = arith.constant 0 : index
    %get3A_1 = vector.load %arg3[%get3A, %get3A_0] : memref<1000x128xf32, #tpu.memory_space<vmem>>, vector<1000x128xf32>
    %get3A_2 = arith.constant 0 : index
    %get3A_3 = arith.constant 0 : index
    %get3A_4 = vector.load %arg1[%get3A_2, %get3A_3] : memref<1000x128xf32, #tpu.memory_space<vmem>>, vector<1000x128xf32>
    %get3A_5 = arith.constant 0 : index
    %get3A_6 = arith.constant 0 : index
    %get3A_7 = vector.load %arg2[%get3A_5, %get3A_6] : memref<128x128xf32, #tpu.memory_space<vmem>>, vector<128x128xf32>
    %dot_general3A = arith.constant dense<0.000000e+00> : vector<1000x128xf32>
    %dot_general3A_8 = tpu.matmul %get3A_4, %get3A_7, %dot_general3A {dimension_numbers = #tpu.dot_dimension_numbers<[1], [0], [0], [1], [0, 0, 1, 1], [], []>, transpose_lhs_hint = false} : vector<1000x128xf32>, vector<128x128xf32>, vector<1000x128xf32> -> vector<1000x128xf32>
    %mul3A = arith.mulf %get3A_1, %dot_general3A_8 : vector<1000x128xf32>
    %swap3A = arith.constant 0 : index
    %swap3A_9 = arith.constant 0 : index
    %swap3A_10 = vector.load %arg4[%swap3A, %swap3A_9] : memref<1000x128xf32, #tpu.memory_space<vmem>>, vector<1000x128xf32>
    tpu.vector_store %arg4[%swap3A, %swap3A_9], %mul3A {strides = array<i32>} : memref<1000x128xf32, #tpu.memory_space<vmem>>, vector<1000x128xf32>,
    return
  }
  func.func @transform_0(%arg0: i32) -> (i32, i32) {
    %c0_i32 = arith.constant 0 : i32
    %c0_i32_0 = arith.constant 0 : i32
    return %arg0, %c0_i32 : i32, i32
  }
  func.func @transform_1(%arg0: i32) -> (i32, i32) {
    %c0_i32 = arith.constant 0 : i32
    %c0_i32_0 = arith.constant 0 : i32
    %c0_i32_1 = arith.constant 0 : i32
    return %c0_i32, %c0_i32_0 : i32, i32
  }
  func.func @transform_2(%arg0: i32) -> (i32, i32) {
    %c0_i32 = arith.constant 0 : i32
    %c0_i32_0 = arith.constant 0 : i32
    return %arg0, %c0_i32 : i32, i32
  }
  func.func @transform_3(%arg0: i32) -> (i32, i32) {
    %c0_i32 = arith.constant 0 : i32
    %c0_i32_0 = arith.constant 0 : i32
    return %arg0, %c0_i32 : i32, i32
  }
}

module attributes {stable_mosaic.version = 14 : i64} {
  func.func @body(%arg0: i32, %arg1: memref<2x1000x128xf32, #tpu.memory_space<vmem>>, %arg2: memref<1000x128xf32, #tpu.memory_space<vmem>>) attributes {dimension_semantics = [#tpu.dimension_semantics<arbitrary>], iteration_bounds = array<i64: 10>, scalar_prefetch = 0 : i64, scratch_operands = 0 : i64, tpu.core_type = #tpu.core_type<tc>, window_params = [{transform_indices = @transform_0, window_bounds = array<i64: 2, 1000, 128>}, {transform_indices = @transform_1, window_bounds = array<i64: 1000, 128>}]} {
    %get3A = arith.constant 0 : index
    %get3A_0 = arith.constant 0 : index
    %get3A_1 = arith.constant 0 : index
    %get3A_2 = vector.load %arg1[%get3A, %get3A_0, %get3A_1] : memref<2x1000x128xf32, #tpu.memory_space<vmem>>, vector<1x1000x128xf32>
    %get3A_3 = vector.shape_cast %get3A_2 : vector<1x1000x128xf32> to vector<1000x128xf32>
    %get3A_4 = arith.constant 1 : index
    %get3A_5 = arith.constant 0 : index
    %get3A_6 = arith.constant 0 : index
    %get3A_7 = vector.load %arg1[%get3A_4, %get3A_5, %get3A_6] : memref<2x1000x128xf32, #tpu.memory_space<vmem>>, vector<1x1000x128xf32>
    %get3A_8 = vector.shape_cast %get3A_7 : vector<1x1000x128xf32> to vector<1000x128xf32>
    %add3A = arith.addf %get3A_3, %get3A_8 : vector<1000x128xf32>
    %swap3A = arith.constant 0 : index
    %swap3A_9 = arith.constant 0 : index
    %swap3A_10 = vector.load %arg2[%swap3A, %swap3A_9] : memref<1000x128xf32, #tpu.memory_space<vmem>>, vector<1000x128xf32>
    tpu.vector_store %arg2[%swap3A, %swap3A_9], %add3A {strides = array<i32>} : memref<1000x128xf32, #tpu.memory_space<vmem>>, vector<1000x128xf32>,
    return
  }
  func.func @transform_0(%arg0: i32) -> (i32, i32, i32) {
    %c0_i32 = arith.constant 0 : i32
    %c0_i32_0 = arith.constant 0 : i32
    %c0_i32_1 = arith.constant 0 : i32
    return %c0_i32, %arg0, %c0_i32_0 : i32, i32, i32
  }
  func.func @transform_1(%arg0: i32) -> (i32, i32) {
    %c0_i32 = arith.constant 0 : i32
    %c0_i32_0 = arith.constant 0 : i32
    return %arg0, %c0_i32 : i32, i32
  }
}

module attributes {stable_mosaic.version = 14 : i64} {
  func.func @body(%arg0: i32, %arg1: memref<1000x128xf32, #tpu.memory_space<vmem>>, %arg2: memref<1000x128xf32, #tpu.memory_space<vmem>>, %arg3: memref<1000x128xf32, #tpu.memory_space<vmem>>, %arg4: memref<1x128xf32, #tpu.memory_space<vmem>>, %arg5: memref<128x128xf32, #tpu.memory_space<vmem>>, %arg6: memref<1000x128xf32, #tpu.memory_space<vmem>>) attributes {dimension_semantics = [#tpu.dimension_semantics<arbitrary>], iteration_bounds = array<i64: 10>, scalar_prefetch = 0 : i64, scratch_operands = 0 : i64, tpu.core_type = #tpu.core_type<tc>, window_params = [{transform_indices = @transform_0, window_bounds = array<i64: 1000, 128>}, {transform_indices = @transform_1, window_bounds = array<i64: 1000, 128>}, {transform_indices = @transform_2, window_bounds = array<i64: 1000, 128>}, {pipeline_mode = #tpu.pipeline_mode<synchronous>, transform_indices = @transform_3, window_bounds = array<i64: 1, 128>}, {pipeline_mode = #tpu.pipeline_mode<synchronous>, transform_indices = @transform_4, window_bounds = array<i64: 128, 128>}, {transform_indices = @transform_5, window_bounds = array<i64: 1000, 128>}]} {
    %get3A = arith.constant 0 : index
    %get3A_0 = arith.constant 0 : index
    %get3A_1 = vector.load %arg3[%get3A, %get3A_0] : memref<1000x128xf32, #tpu.memory_space<vmem>>, vector<1000x128xf32>
    %get3A_2 = arith.constant 0 : index
    %get3A_3 = arith.constant 0 : index
    %get3A_4 = vector.load %arg1[%get3A_2, %get3A_3] : memref<1000x128xf32, #tpu.memory_space<vmem>>, vector<1000x128xf32>
    %get3A_5 = arith.constant 0 : index
    %get3A_6 = arith.constant 0 : index
    %get3A_7 = vector.load %arg2[%get3A_5, %get3A_6] : memref<1000x128xf32, #tpu.memory_space<vmem>>, vector<1000x128xf32>
    %add3A = arith.addf %get3A_4, %get3A_7 : vector<1000x128xf32>
    %mul3A = arith.mulf %get3A_1, %add3A : vector<1000x128xf32>
    %get3A_8 = arith.constant 0 : index
    %get3A_9 = arith.constant 0 : index
    %get3A_10 = vector.load %arg4[%get3A_8, %get3A_9] : memref<1x128xf32, #tpu.memory_space<vmem>>, vector<1x128xf32>
    %add3A_11 = vector.broadcast %get3A_10 : vector<1x128xf32> to vector<1000x128xf32>
    %add3A_12 = arith.addf %mul3A, %add3A_11 : vector<1000x128xf32>
    %max3A = arith.constant 0.000000e+00 : f32
    %max3A_13 = vector.broadcast %max3A : f32 to vector<1000x128xf32>
    %max3A_14 = arith.maximumf %add3A_12, %max3A_13 : vector<1000x128xf32>
    %get3A_15 = arith.constant 0 : index
    %get3A_16 = arith.constant 0 : index
    %get3A_17 = vector.load %arg5[%get3A_15, %get3A_16] : memref<128x128xf32, #tpu.memory_space<vmem>>, vector<128x128xf32>
    %dot_general3A = arith.constant dense<0.000000e+00> : vector<1000x128xf32>
    %dot_general3A_18 = tpu.matmul %max3A_14, %get3A_17, %dot_general3A {dimension_numbers = #tpu.dot_dimension_numbers<[1], [0], [0], [1], [0, 0, 1, 1], [], []>, transpose_lhs_hint = false} : vector<1000x128xf32>, vector<128x128xf32>, vector<1000x128xf32> -> vector<1000x128xf32>
    %mul3A_19 = arith.mulf %get3A_1, %dot_general3A_18 : vector<1000x128xf32>
    %swap3A = arith.constant 0 : index
    %swap3A_20 = arith.constant 0 : index
    %swap3A_21 = vector.load %arg6[%swap3A, %swap3A_20] : memref<1000x128xf32, #tpu.memory_space<vmem>>, vector<1000x128xf32>
    tpu.vector_store %arg6[%swap3A, %swap3A_20], %mul3A_19 {strides = array<i32>} : memref<1000x128xf32, #tpu.memory_space<vmem>>, vector<1000x128xf32>,
    return
  }
  func.func @transform_0(%arg0: i32) -> (i32, i32) {
    %c0_i32 = arith.constant 0 : i32
    %c0_i32_0 = arith.constant 0 : i32
    return %arg0, %c0_i32 : i32, i32
  }
  func.func @transform_1(%arg0: i32) -> (i32, i32) {
    %c0_i32 = arith.constant 0 : i32
    %c0_i32_0 = arith.constant 0 : i32
    return %arg0, %c0_i32 : i32, i32
  }
  func.func @transform_2(%arg0: i32) -> (i32, i32) {
    %c0_i32 = arith.constant 0 : i32
    %c0_i32_0 = arith.constant 0 : i32
    return %arg0, %c0_i32 : i32, i32
  }
  func.func @transform_3(%arg0: i32) -> (i32, i32) {
    %c0_i32 = arith.constant 0 : i32
    %c0_i32_0 = arith.constant 0 : i32
    %c0_i32_1 = arith.constant 0 : i32
    return %c0_i32, %c0_i32_0 : i32, i32
  }
  func.func @transform_4(%arg0: i32) -> (i32, i32) {
    %c0_i32 = arith.constant 0 : i32
    %c0_i32_0 = arith.constant 0 : i32
    %c0_i32_1 = arith.constant 0 : i32
    return %c0_i32, %c0_i32_0 : i32, i32
  }
  func.func @transform_5(%arg0: i32) -> (i32, i32) {
    %c0_i32 = arith.constant 0 : i32
    %c0_i32_0 = arith.constant 0 : i32
    return %arg0, %c0_i32 : i32, i32
  }
}

module attributes {stable_mosaic.version = 14 : i64} {
  func.func @body(%arg0: i32, %arg1: memref<1000x128xf32, #tpu.memory_space<vmem>>, %arg2: memref<1000x128xf32, #tpu.memory_space<vmem>>, %arg3: memref<1000x128xf32, #tpu.memory_space<vmem>>, %arg4: memref<1x128xf32, #tpu.memory_space<vmem>>, %arg5: memref<1000x128xf32, #tpu.memory_space<vmem>>) attributes {dimension_semantics = [#tpu.dimension_semantics<arbitrary>], iteration_bounds = array<i64: 10>, scalar_prefetch = 0 : i64, scratch_operands = 0 : i64, tpu.core_type = #tpu.core_type<tc>, window_params = [{transform_indices = @transform_0, window_bounds = array<i64: 1000, 128>}, {transform_indices = @transform_1, window_bounds = array<i64: 1000, 128>}, {transform_indices = @transform_2, window_bounds = array<i64: 1000, 128>}, {pipeline_mode = #tpu.pipeline_mode<synchronous>, transform_indices = @transform_3, window_bounds = array<i64: 1, 128>}, {transform_indices = @transform_4, window_bounds = array<i64: 1000, 128>}]} {
    %get3A = arith.constant 0 : index
    %get3A_0 = arith.constant 0 : index
    %get3A_1 = vector.load %arg3[%get3A, %get3A_0] : memref<1000x128xf32, #tpu.memory_space<vmem>>, vector<1000x128xf32>
    %get3A_2 = arith.constant 0 : index
    %get3A_3 = arith.constant 0 : index
    %get3A_4 = vector.load %arg1[%get3A_2, %get3A_3] : memref<1000x128xf32, #tpu.memory_space<vmem>>, vector<1000x128xf32>
    %get3A_5 = arith.constant 0 : index
    %get3A_6 = arith.constant 0 : index
    %get3A_7 = vector.load %arg2[%get3A_5, %get3A_6] : memref<1000x128xf32, #tpu.memory_space<vmem>>, vector<1000x128xf32>
    %add3A = arith.addf %get3A_4, %get3A_7 : vector<1000x128xf32>
    %mul3A = arith.mulf %get3A_1, %add3A : vector<1000x128xf32>
    %get3A_8 = arith.constant 0 : index
    %get3A_9 = arith.constant 0 : index
    %get3A_10 = vector.load %arg4[%get3A_8, %get3A_9] : memref<1x128xf32, #tpu.memory_space<vmem>>, vector<1x128xf32>
    %add3A_11 = vector.broadcast %get3A_10 : vector<1x128xf32> to vector<1000x128xf32>
    %add3A_12 = arith.addf %mul3A, %add3A_11 : vector<1000x128xf32>
    %max3A = arith.constant 0.000000e+00 : f32
    %max3A_13 = vector.broadcast %max3A : f32 to vector<1000x128xf32>
    %max3A_14 = arith.maximumf %add3A_12, %max3A_13 : vector<1000x128xf32>
    %swap3A = arith.constant 0 : index
    %swap3A_15 = arith.constant 0 : index
    %swap3A_16 = vector.load %arg5[%swap3A, %swap3A_15] : memref<1000x128xf32, #tpu.memory_space<vmem>>, vector<1000x128xf32>
    tpu.vector_store %arg5[%swap3A, %swap3A_15], %max3A_14 {strides = array<i32>} : memref<1000x128xf32, #tpu.memory_space<vmem>>, vector<1000x128xf32>,
    return
  }
  func.func @transform_0(%arg0: i32) -> (i32, i32) {
    %c0_i32 = arith.constant 0 : i32
    %c0_i32_0 = arith.constant 0 : i32
    return %arg0, %c0_i32 : i32, i32
  }
  func.func @transform_1(%arg0: i32) -> (i32, i32) {
    %c0_i32 = arith.constant 0 : i32
    %c0_i32_0 = arith.constant 0 : i32
    return %arg0, %c0_i32 : i32, i32
  }
  func.func @transform_2(%arg0: i32) -> (i32, i32) {
    %c0_i32 = arith.constant 0 : i32
    %c0_i32_0 = arith.constant 0 : i32
    return %arg0, %c0_i32 : i32, i32
  }
  func.func @transform_3(%arg0: i32) -> (i32, i32) {
    %c0_i32 = arith.constant 0 : i32
    %c0_i32_0 = arith.constant 0 : i32
    %c0_i32_1 = arith.constant 0 : i32
    return %c0_i32, %c0_i32_0 : i32, i32
  }
  func.func @transform_4(%arg0: i32) -> (i32, i32) {
    %c0_i32 = arith.constant 0 : i32
    %c0_i32_0 = arith.constant 0 : i32
    return %arg0, %c0_i32 : i32, i32
  }
}

module attributes {stable_mosaic.version = 14 : i64} {
  func.func @body(%arg0: i32, %arg1: memref<1000x128xf32, #tpu.memory_space<vmem>>, %arg2: memref<128x1xf32, #tpu.memory_space<vmem>>, %arg3: memref<1000x1xf32, #tpu.memory_space<vmem>>) attributes {dimension_semantics = [#tpu.dimension_semantics<arbitrary>], iteration_bounds = array<i64: 10>, scalar_prefetch = 0 : i64, scratch_operands = 0 : i64, tpu.core_type = #tpu.core_type<tc>, window_params = [{transform_indices = @transform_0, window_bounds = array<i64: 1000, 128>}, {pipeline_mode = #tpu.pipeline_mode<synchronous>, transform_indices = @transform_1, window_bounds = array<i64: 128, 1>}, {transform_indices = @transform_2, window_bounds = array<i64: 1000, 1>}]} {
    %get3A = arith.constant 0 : index
    %get3A_0 = arith.constant 0 : index
    %get3A_1 = vector.load %arg1[%get3A, %get3A_0] : memref<1000x128xf32, #tpu.memory_space<vmem>>, vector<1000x128xf32>
    %get3A_2 = arith.constant 0 : index
    %get3A_3 = arith.constant 0 : index
    %get3A_4 = vector.load %arg2[%get3A_2, %get3A_3] : memref<128x1xf32, #tpu.memory_space<vmem>>, vector<128x1xf32>
    %dot_general3A = arith.constant dense<0.000000e+00> : vector<1000x1xf32>
    %dot_general3A_5 = tpu.matmul %get3A_1, %get3A_4, %dot_general3A {dimension_numbers = #tpu.dot_dimension_numbers<[1], [0], [0], [1], [0, 0, 1, 1], [], []>, transpose_lhs_hint = false} : vector<1000x128xf32>, vector<128x1xf32>, vector<1000x1xf32> -> vector<1000x1xf32>
    %swap3A = arith.constant 0 : index
    %swap3A_6 = arith.constant 0 : index
    %swap3A_7 = vector.load %arg3[%swap3A, %swap3A_6] : memref<1000x1xf32, #tpu.memory_space<vmem>>, vector<1000x1xf32>
    tpu.vector_store %arg3[%swap3A, %swap3A_6], %dot_general3A_5 {strides = array<i32>} : memref<1000x1xf32, #tpu.memory_space<vmem>>, vector<1000x1xf32>,
    return
  }
  func.func @transform_0(%arg0: i32) -> (i32, i32) {
    %c0_i32 = arith.constant 0 : i32
    %c0_i32_0 = arith.constant 0 : i32
    return %arg0, %c0_i32 : i32, i32
  }
  func.func @transform_1(%arg0: i32) -> (i32, i32) {
    %c0_i32 = arith.constant 0 : i32
    %c0_i32_0 = arith.constant 0 : i32
    %c0_i32_1 = arith.constant 0 : i32
    return %c0_i32, %c0_i32_0 : i32, i32
  }
  func.func @transform_2(%arg0: i32) -> (i32, i32) {
    %c0_i32 = arith.constant 0 : i32
    %c0_i32_0 = arith.constant 0 : i32
    return %arg0, %c0_i32 : i32, i32
  }
}

module attributes {stable_mosaic.version = 14 : i64} {
  func.func @body(%arg0: memref<10000x1xf32, #tpu.memory_space<vmem>>, %arg1: memref<10000x1xf32, #tpu.memory_space<vmem>>) attributes {dimension_semantics = [], scalar_prefetch = 0 : i64, scratch_operands = 0 : i64, tpu.core_type = #tpu.core_type<tc>} {
    %get3A = arith.constant 0 : index
    %get3A_0 = arith.constant 0 : index
    %get3A_1 = vector.load %arg0[%get3A, %get3A_0] : memref<10000x1xf32, #tpu.memory_space<vmem>>, vector<10000x1xf32>
    %reduce_max3A = vector.shape_cast %get3A_1 : vector<10000x1xf32> to vector<1x10000x1xf32>
    %reduce_max3A_2 = arith.constant dense<0xFF800000> : vector<1xf32>
    %reduce_max3A_3 = vector.multi_reduction <maximumf>, %reduce_max3A, %reduce_max3A_2 [1, 2] : vector<1x10000x1xf32> to vector<1xf32>
    %reduce_max3A_4 = vector.shape_cast %reduce_max3A_3 : vector<1xf32> to vector<1x1x1xf32>
    %reduce_max3A_5 = vector.extract %reduce_max3A_4[0, 0, 0] : f32 from vector<1x1x1xf32>
    %sub3A = vector.broadcast %reduce_max3A_5 : f32 to vector<10000x1xf32>
    %sub3A_6 = arith.subf %get3A_1, %sub3A : vector<10000x1xf32>
    %exp3A = math.exp %sub3A_6 : vector<10000x1xf32>
    %reduce_sum3A = vector.shape_cast %exp3A : vector<10000x1xf32> to vector<1x10000x1xf32>
    %reduce_sum3A_7 = arith.constant dense<0.000000e+00> : vector<1xf32>
    %reduce_sum3A_8 = vector.multi_reduction <add>, %reduce_sum3A, %reduce_sum3A_7 [1, 2] : vector<1x10000x1xf32> to vector<1xf32>
    %reduce_sum3A_9 = vector.shape_cast %reduce_sum3A_8 : vector<1xf32> to vector<1x1x1xf32>
    %reduce_sum3A_10 = vector.extract %reduce_sum3A_9[0, 0, 0] : f32 from vector<1x1x1xf32>
    %div3A = vector.broadcast %reduce_sum3A_10 : f32 to vector<10000x1xf32>
    %div3A_11 = arith.divf %exp3A, %div3A : vector<10000x1xf32>
    %swap3A = arith.constant 0 : index
    %swap3A_12 = arith.constant 0 : index
    %swap3A_13 = vector.load %arg1[%swap3A, %swap3A_12] : memref<10000x1xf32, #tpu.memory_space<vmem>>, vector<10000x1xf32>
    tpu.vector_store %arg1[%swap3A, %swap3A_12], %div3A_11 {strides = array<i32>} : memref<10000x1xf32, #tpu.memory_space<vmem>>, vector<10000x1xf32>,
    return
  }
}

module attributes {stable_mosaic.version = 14 : i64} {
  func.func @body(%arg0: i32, %arg1: memref<1000x128xf32, #tpu.memory_space<vmem>>, %arg2: memref<1000x1xf32, #tpu.memory_space<vmem>>, %arg3: memref<1000x128xf32, #tpu.memory_space<vmem>>) attributes {dimension_semantics = [#tpu.dimension_semantics<arbitrary>], iteration_bounds = array<i64: 10>, scalar_prefetch = 0 : i64, scratch_operands = 0 : i64, tpu.core_type = #tpu.core_type<tc>, window_params = [{transform_indices = @transform_0, window_bounds = array<i64: 1000, 128>}, {transform_indices = @transform_1, window_bounds = array<i64: 1000, 1>}, {transform_indices = @transform_2, window_bounds = array<i64: 1000, 128>}]} {
    %get3A = arith.constant 0 : index
    %get3A_0 = arith.constant 0 : index
    %get3A_1 = vector.load %arg1[%get3A, %get3A_0] : memref<1000x128xf32, #tpu.memory_space<vmem>>, vector<1000x128xf32>
    %get3A_2 = arith.constant 0 : index
    %get3A_3 = arith.constant 0 : index
    %get3A_4 = vector.load %arg2[%get3A_2, %get3A_3] : memref<1000x1xf32, #tpu.memory_space<vmem>>, vector<1000x1xf32>
    %mul3A = vector.broadcast %get3A_4 : vector<1000x1xf32> to vector<1000x128xf32>
    %mul3A_5 = arith.mulf %get3A_1, %mul3A : vector<1000x128xf32>
    %swap3A = arith.constant 0 : index
    %swap3A_6 = arith.constant 0 : index
    %swap3A_7 = vector.load %arg3[%swap3A, %swap3A_6] : memref<1000x128xf32, #tpu.memory_space<vmem>>, vector<1000x128xf32>
    tpu.vector_store %arg3[%swap3A, %swap3A_6], %mul3A_5 {strides = array<i32>} : memref<1000x128xf32, #tpu.memory_space<vmem>>, vector<1000x128xf32>,
    return
  }
  func.func @transform_0(%arg0: i32) -> (i32, i32) {
    %c0_i32 = arith.constant 0 : i32
    %c0_i32_0 = arith.constant 0 : i32
    return %arg0, %c0_i32 : i32, i32
  }
  func.func @transform_1(%arg0: i32) -> (i32, i32) {
    %c0_i32 = arith.constant 0 : i32
    %c0_i32_0 = arith.constant 0 : i32
    return %arg0, %c0_i32 : i32, i32
  }
  func.func @transform_2(%arg0: i32) -> (i32, i32) {
    %c0_i32 = arith.constant 0 : i32
    %c0_i32_0 = arith.constant 0 : i32
    return %arg0, %c0_i32 : i32, i32
  }
}

</mosaic_0001>

<sc_bundles>
// kernel: kernel.14.cloned.1.call-start
scs
__scs_entry_jumppad:
0x0: {  	(pc) =	sbr.rel $0x88, $3  }
0x1: {  	(tag) =	ssettag $0x0;
	lr =	simm.s32 $0x1  }
0x2: {  	[smem:$0x3F9A] =	sst lr;
	_ =	strace $0xD0000000  }
0x3: {  	_ = 	snop  }
0x4: {  	_ = 	snop  }
0x5: {  	_ = 	snop  }
0x6: {  	_ = 	snop  }
0x7: {  	_ = 	snop  }
__scs_overlays_trampoline_lowered:
0x8: {  	[smem:$0x3FA9] =	sst s0  }
0x9: {  	[smem:$0x3FAA] =	sst s1  }
0xa: {  	[smem:$0x3FAB] =	sst s2  }
0xb: {  	[smem:$0x3FAC] =	sst s3  }
0xc: {  	[smem:$0x3FAD] =	sst s4  }
0xd: {  	[smem:$0x3FAE] =	sst s5  }
0xe: {  	[smem:$0x3FAF] =	sst s6  }
0xf: {  	[smem:$0x3FB0] =	sst s7  }
0x10: {  	[smem:$0x3FB1] =	sst s8  }
0x11: {  	[smem:$0x3FB2] =	sst s9;
	s0 =	simm.s32 @!p0 $0x0  }
0x12: {  	s1 =	sld [smem:$0x3F98];
	s0 =	simm.s32 @p0 $0x1  }
0x13: {  	[smem:$0x3FB3] =	sst s0;
	s0 =	simm.s32 @!p1 $0x0  }
0x14: {  	s2 =	sld [smem:$0x3F97];
	s0 =	simm.s32 @p1 $0x1  }
0x15: {  	[smem:$0x3FB4] =	sst s0;
	s0 =	simm.s32 @!p2 $0x0  }
0x16: {  	s3 =	sld [smem:$0x3FDB];
	s0 =	simm.s32 @p2 $0x1  }
0x17: {  	s4 =	simm.s32 $0x1BF5;
	[smem:$0x3FB6] =	sst s0  }
0x18: {  	s0 =	sld [smem:$0x3F99];
	_ =	swait.ge [sflag:s4], $0x0  }
0x19: {  	s7 =	sld [smem:$0x3F9A]  }
0x1a: {  	s8 =	sadd.s32 $0xFFFFE003, lr  }
0x1b: {  	s9 =	sadd.s32 $0xFFFFFEF7, lr;
	s5 =	simm.s32 $0xFFFFFFFF;
	p2 =	slt.u32 s8, $0xFFFFF086  }
0x1c: {  	p1 =	slt.u32 s9, $0xF7A;
	s5 =	simm.s32 @!p2 $0x0  }
0x1d: {  	s5 =	simm.s32 @p1 $0x1;
	p0 =	seq.s32 s7, s2  }
0x1e: {  	s7 =	smul.u32 @!p0 $0xF7A, s2;
	p2 =	seq.s32 @!p0 s5, $0x0  }
0x1f: {  	s9 =	smul.u32 $0xF7A, s1;
	s8 =	simm.s32 @!p0 $0x1BF5;
	p2 =	por !p2, p0  }
0x20: {  	[sflag:s8] =	ssyncset.s32 @!p0 $0xFFFFF086;
	s6 =	sadd.s32 @!p0 s3, s7;
	s7 =	simm.s32 @!p0 $0x108  }
0x21: {  	s3 =	sadd.s32 s3, s9;
	s6 =	sadd.s32 @!p0 $0x88, s6;
	s7 =	simm.s32 @p2 $0x1082  }
0x22: {  	[simem:s7], [sflag:s8] =	dma.local @!p0 [hbm:s6], $0xF7A  }
0x23: {  	s9 =	sor.u32 $0xD0000000, s2;
	s6 =	simm.s32 $0x108;
	_ =	swait.ge @!p0 [sflag:s8], $0x0  }
0x24: {  	s3 =	sadd.s32 $0x88, s3;
	s6 =	simm.s32 @!p1 $0x1082;
	[sflag:s4] =	ssyncset.s32 $0xFFFFF086  }
0x25: {  	[simem:s6], [sflag:s4] =	dma.local [hbm:s3], $0xF7A  }
0x26: {  	[smem:$0x3F9A] =	sst s1;
	(tag) =	ssettag s2;
	_ =	strace s9  }
0x27: {  	s1 =	sld [smem:$0x3FAA]  }
0x28: {  	s2 =	sld [smem:$0x3FAB]  }
0x29: {  	s4 =	sld [smem:$0x3FAD]  }
0x2a: {  	p0 =	seq.s32 s5, $0x0;
	s5 =	sld [smem:$0x3FAE]  }
0x2b: {  	s6 =	sld [smem:$0x3FAF]  }
0x2c: {  	s7 =	sld [smem:$0x3FB0]  }
0x2d: {  	s3 =	simm.s32 $0x108;
	s8 =	sld [smem:$0x3FB1]  }
0x2e: {  	s3 =	simm.s32 @!p0 $0x1082;
	s9 =	sld [smem:$0x3FB2]  }
0x2f: {  	lr =	sadd.s32 s0, s3;
	s0 =	sld [smem:$0x3FA9]  }
0x30: {  	s3 =	sld [smem:$0x3FAC]  }
0x31: {  	[smem:$0x3FB5] =	sst s10  }
0x32: {  	s10 =	sld [smem:$0x3FB3];
	_ =	sdelay $0x3  }
0x33: {  	p0 =	seq.s32 s10, $0x1;
	s10 =	sld [smem:$0x3FB5];
	_ =	sdelay $0x3  }
0x34: {  	[smem:$0x3FB5] =	sst s10  }
0x35: {  	s10 =	sld [smem:$0x3FB4];
	_ =	sdelay $0x3  }
0x36: {  	p1 =	seq.s32 s10, $0x1;
	s10 =	sld [smem:$0x3FB5];
	_ =	sdelay $0x3  }
0x37: {  	[smem:$0x3FB5] =	sst s10  }
0x38: {  	s10 =	sld [smem:$0x3FB6]  }
0x39: {  	_ = 	snop;
	(pc) =	sbr.ind lr, $3  }
0x3a: {  	_ = 	snop  }
0x3b: {  	_ = 	snop  }
0x3c: {  	p2 =	seq.s32 s10, $0x1;
	s10 =	sld [smem:$0x3FB5]  }
0x3d: {  	_ =	shalt  }
0x3e: {  	_ =	shalt  }
0x3f: {  	_ =	shalt  }
0x40: {  	_ =	shalt  }
0x41: {  	_ =	shalt  }
0x42: {  	_ =	shalt  }
0x43: {  	_ =	shalt  }
0x44: {  	_ =	shalt  }
0x45: {  	_ =	shalt  }
0x46: {  	_ =	shalt  }
0x47: {  	_ =	shalt  }
0x48: {  	_ =	shalt  }
0x49: {  	_ =	shalt  }
0x4a: {  	_ =	shalt  }
0x4b: {  	_ =	shalt  }
0x4c: {  	_ =	shalt  }
0x4d: {  	_ =	shalt  }
0x4e: {  	_ =	shalt  }
0x4f: {  	_ =	shalt  }
0x50: {  	_ =	shalt  }
0x51: {  	_ =	shalt  }
0x52: {  	_ =	shalt  }
0x53: {  	_ =	shalt  }
0x54: {  	_ =	shalt  }
0x55: {  	_ =	shalt  }
0x56: {  	_ =	shalt  }
0x57: {  	_ =	shalt  }
0x58: {  	_ =	shalt  }
0x59: {  	_ =	shalt  }
0x5a: {  	_ =	shalt  }
0x5b: {  	_ =	shalt  }
0x5c: {  	_ =	shalt  }
0x5d: {  	_ =	shalt  }
0x5e: {  	_ =	shalt  }
0x5f: {  	_ =	shalt  }
0x60: {  	_ =	shalt  }
0x61: {  	_ =	shalt  }
0x62: {  	_ =	shalt  }
0x63: {  	_ =	shalt  }
0x64: {  	_ =	shalt  }
0x65: {  	_ =	shalt  }
0x66: {  	_ =	shalt  }
0x67: {  	_ =	shalt  }
0x68: {  	_ =	shalt  }
0x69: {  	_ =	shalt  }
0x6a: {  	_ =	shalt  }
0x6b: {  	_ =	shalt  }
0x6c: {  	_ =	shalt  }
0x6d: {  	_ =	shalt  }
0x6e: {  	_ =	shalt  }
0x6f: {  	_ =	shalt  }
0x70: {  	_ =	shalt  }
0x71: {  	_ =	shalt  }
0x72: {  	_ =	shalt  }
0x73: {  	_ =	shalt  }
0x74: {  	_ =	shalt  }
0x75: {  	_ =	shalt  }
0x76: {  	_ =	shalt  }
0x77: {  	_ =	shalt  }
0x78: {  	_ =	shalt  }
0x79: {  	_ =	shalt  }
0x7a: {  	_ =	shalt  }
0x7b: {  	_ =	shalt  }
0x7c: {  	_ =	shalt  }
0x7d: {  	_ =	shalt  }
0x7e: {  	_ =	shalt  }
0x7f: {  	_ =	shalt  }
0x80: {  	_ =	shalt  }
0x81: {  	_ =	shalt  }
0x82: {  	_ =	shalt  }
0x83: {  	_ =	shalt  }
0x84: {  	_ =	shalt  }
0x85: {  	_ =	shalt  }
0x86: {  	_ =	shalt  }
0x87: {  	_ =	shalt  }
.Lfunc_end0:
.L_simem_size_0:
called_computation_lowered:
.L_overlay_start_0:
0x88: {  	s2 =	sld [smem:$0x3FD9]  }
0x89: {  	s3 =	sld [smem:$0x3FFE];
	_ =	sdelay $0x1  }
0x8a: {  	s1 =	srdreg.scid  }
0x8b: {  	s0 =	sand.u32 $0x1, s1  }
0x8c: {  	s14 =	sshll.u32 s0, $0xA;
	s2 =	sadd.s32 s3, s2  }
0x8d: {  	s2 =	sadd.s32 s2, s14  }
0x8e: {  	[smem:$0x3FC1] =	sst s2  }
0x8f: {  	_ = 	snop  }
0x90: {  	s2 =	sld [smem:$0x3FD0];
	_ =	sdelay $0x2  }
0x91: {  	s15 =	simm.s32 $0xA;
	s4 =	simm.s32 $0x10  }
0x92: {  	[smem:s4], [sflag:s15] =	dma.local [hbm:s2], $0x1  }
0x93: {  	_ =	swait.eq [sflag:s15], $0x1  }
0x94: {  	[sflag:s15] =	ssyncset.done $0x0  }
0x95: {  	s16 =	sld [smem:$0x10];
	[sflag:s15] =	ssyncadd.s32 $0xFFFFFFFF  }
0x96: {  	s17 =	sld [smem:$0x11];
	(tm) =	ssettm $0x1  }
0x97: {  	s18 =	sld [smem:$0x3FFB];
	_ =	sdelay $0x3  }
0x98: {  	_ =	strace s18  }
0x99: {  	s4 =	sld [smem:$0x3FFC];
	_ =	sdelay $0x3  }
0x9a: {  	_ =	strace s4  }
0x9b: {  	s4 =	sld [smem:$0x3FFD];
	_ =	sdelay $0x3  }
0x9c: {  	_ =	strace s4  }
0x9d: {  	_ =	strace $0x8FFFFFFF  }
0x9e: {  	s19 =	sld [smem:$0x3FDB];
	_ =	sdelay $0x1  }
0x9f: {  	s5 =	simm.s32 $_scs_section_size  }
0xa0: {  	s6 =	simm.s32 $_size__tile_overlayer_lowered;
	s7 =	simm.s32 $_tile_overlayer_lowered  }
0xa1: {  	s22 =	simm.s32 $0x1BFF;
	s21 =	sshll.u32 s7, $0x1;
	s4 =	sadd.s32 s5, s19  }
0xa2: {  	s8 =	simm.s32 $0x0;
	s20 =	sshll.u32 s6, $0x1;
	s6 =	sadd.s32 s21, s4  }
0xa3: {  	[timem:s8], [sflag:s22] =	dma.local [hbm:s6], s20  }
0xa4: {  	_ =	swait.ge [sflag:s22], s20  }
0xa5: {  	s5 =	ssub.s32 $0x0, s20;
	[sflag:s22] =	ssyncset.done $0x0  }
0xa6: {  	[sflag:s22] =	ssyncadd.s32 s5;
	_ =	sdelay $0x1  }
0xa7: {  	s23 =	simm.s32 $0x1B8B  }
0xa8: {  	_ =	swait.ge [sflag:s23], $0x1  }
0xa9: {  	[sflag:s23] =	ssyncset.done $0x0  }
0xaa: {  	s25 =	simm.s32 $0x1B8E;
	s24 =	sld [smem:$0x3FFE];
	[sflag:s23] =	ssyncadd.s32 $0xFFFFFFFF  }
0xab: {  	s26 =	simm.s32 $execute0_lowered;
	[smem:$0x3FD2] =	sst s25  }
0xac: {  	s6 =	sshll.u32 s26, $0x1;
	_ =	strace $0x80000046;
	[dreg:$0x1] =	wrdreg $0xFFFFFFFF  }
0xad: {  	s28 =	simm.s32 $_size_execute0_lowered;
	s4 =	sadd.s32 s4, s6;
	[dreg:$0x0] =	wrdreg $0x0  }
0xae: {  	s6 =	sshll.u32 s28, $0x1;
	[dreg:$0x2] =	wrdreg s4  }
0xaf: {  	[dreg:$0x3] =	wrdreg s6  }
0xb0: {  	[dreg:$0x4] =	wrdreg $0xC0  }
0xb1: {  	_ =	task [dreg:s8], $0x5FFFF  }
0xb2: {  	[dreg:$0x1] =	wrdreg $0xFFFFFFFF  }
0xb3: {  	[dreg:$0x0] =	wrdreg $0x60  }
0xb4: {  	[dreg:$0x2] =	wrdreg s24  }
0xb5: {  	[dreg:$0x3] =	wrdreg s16  }
0xb6: {  	[dreg:$0x4] =	wrdreg s17  }
0xb7: {  	[dreg:$0x5] =	wrdreg $0x0  }
0xb8: {  	[dreg:$0x6] =	wrdreg $0x9  }
0xb9: {  	_ =	task.clear_ibuf [dreg:s8], $0x7FFFF;
	_ =	strace $0x90000046  }
0xba: {  	s29 =	simm.s32 $0x9;
	_ =	strace $0x80000048  }
0xbb: {  	_ =	swait.ge [sflag:s29], $0x1  }
0xbc: {  	[sflag:s29] =	ssyncadd.s32 $0xFFFFFFFF  }
0xbd: {  	_ =	strace $0x90000048  }
0xbe: {  	_ =	sfence  }
0xbf: {  	s30 =	sld [smem:$0x0];
	_ =	sdelay $0x2  }
0xc0: {  	s31 =	sshll.u32 s1, $0xD;
	s1 =	sshrl.u32 s1, $0x2  }
0xc1: {  	s3 =	sand.u32 $0x4000, s31;
	s1 =	sadd.s32 s1, s30  }
0xc2: {  	s0 =	sor.u32 s3, s0;
	s1 =	sshll.u32 s1, $0x11  }
0xc3: {  	s0 =	sor.u32 s1, s0  }
0xc4: {  	s0 =	sadd.s32 $0x8F2B, s0  }
0xc5: {  	[sflag:s0] =	ssyncadd.remote.s32 $0x1  }
0xc6: {  	_ =	sfence.sel $0xFFFF  }
0xc7: {  	[dreg:$0x0] =	wrdreg $0xFFFFFFFF;
	(pc) =	sbr.abs _section_cstart, $3  }
0xc8: {  	[dreg:$0x1] =	wrdreg $0xFFFFFFFF  }
0xc9: {  	_ =	task.clear_ibuf [dreg:s8], $0x2FFFF;
	_ =	strace $0x9FFFFFFF  }
0xca: {  	(tm) =	ssettm $0x7FFFFFFF  }
0xcb: {  	_ =	shalt  }
tec
execute0_lowered:
.L_overlay_start_1:
0x0: {  	(tag) =	ssettag $0x1  }
0x1: {  	s6 =	rddreg [dreg:$0x0]  }
0x2: {  	s1 =	rddreg [dreg:$0x1]  }
0x3: {  	s0 =	srdreg.scid;
	s3 =	rddreg [dreg:$0x2]  }
0x4: {  	s4 =	rddreg [dreg:$0x3];
	s7 =	sand.u32 $0x1, s0  }
0x5: {  	s0 =	stileid.u32;
	s8 =	smul.u32 $0x27100, s7  }
0x6: {  	s2 =	rddreg [dreg:$0x4];
	s5 =	simm.s32 $0x0;
	s9 =	smul.u32 $0x2710, s0  }
0x7: {  	s13 =	simm.s32 $0x2780;
	s14 =	simm.s32 $0x50;
	s10 =	smul.u32 $0x13C000, s7  }
0x8: {  	s15 =	simm.s32 $0x0;
	[smem:$0x7FF] =	sst s5;
	s28 =	smul.u32 $0x13C00, s0  }
0x9: {  	_ =	strace $0x80000047;
	s7 =	ssub.s32 $0x2, s7;
	s29 =	smul.u32 $0x4F000, s0  }
0xa: {  	s31 =	sshll.u32 s0, $0x6;
	s11 =	sshrl.u32 s7, $0x1;
	s8 =	sadd.s32 s9, s8  }
0xb: {  	s9 =	sadd.s32 s28, s10;
	s7 =	ssub.s32 s7, s11;
	s30 =	sshrl.u32 s29, $0x2  }
0xc: {  	s10 =	simm.s32 $0x1;
	s11 =	sor.u32 $0x1C01, s31;
	s8 =	sshrl.u32 s8, $0x3  }
0xd: {  	s9 =	sshrl.u32 s9, $0x3;
	s12 =	sadd.s32 s30, s4;
	s7 =	smax.u32 s7, $0x1  }
0xe: {  	s8 =	sadd.s32 s8, s6;
	s6 =	sadd.s32 s9, s6;
	s9 =	simm.s32 $0x2800  }
0xf: {  	s12 =	sshrl.u32 s12, $0x3;
	s6 =	sadd.s32 $0x16A00, s6;
	s8 =	sadd.s32 $0xCC00, s8  }
.LBB2_1:
0x10: {  	[tilespmem:s9], [sflag:$0x1] =	stream.linear.gather [hbm4b:s3+s5], $0x2800, $0x38;
	[tilespmem:$0x5000] =	vst v63  }
0x11: {  	_ =	swait.ge [sflag:s10], $0x2800  }
0x12: {  	[sflag:s10] =	ssyncset.done $0x0  }
0x13: {  	[sflag:s10] =	ssyncadd.s32 $0xFFFFD800  }
0x14: {  	[spmem:s12], [sflag:s11] =	dma.local [hbm:s1], $0x2780  }
0x15: {  	_ =	swait.ge [sflag:s10], $0x2780  }
0x16: {  	[sflag:s10] =	ssyncset.done $0x0  }
0x17: {  	[sflag:s10] =	ssyncadd.s32 $0xFFFFD880  }
0x18: {  	s16 =	sadd.s32 $0x0, s8;
	[bflag:$0x0] =	sbarrier.arrive $0xFFFF  }
0x19: {  	[tilespmem:s13], [sflag:$0x1] =	stream.linear.gather [hbm4b:s16+s5], $0x50, $0x38;
	[tilespmem:$0x5000] =	vst v63  }
0x1a: {  	_ =	swait.ge [sflag:s10], $0x50  }
0x1b: {  	[sflag:s10] =	ssyncset.done $0x0  }
0x1c: {  	[sflag:s10] =	ssyncadd.s32 $0xFFFFFFB0  }
0x1d: {  	[spmem:s4] =	stream.indirect.scatter.add.f32 [tilespmem:s9], [sflag:$0x1], $0x10, s13, s14, $0xb8;
	[tilespmem:$0x5000] =	vst v63  }
0x1e: {  	_ =	swait.ge [sflag:s10], $0x500  }
0x1f: {  	s17 =	simm.s32 $0x14;
	s16 =	simm.s32 $0xA;
	[sflag:s10] =	ssyncset.done $0x0  }
.LBB2_2:
0x20: {  	s18 =	sadd.s32 s16, s8  }
0x21: {  	[sflag:s10] =	ssyncadd.s32 $0xFFFFFB00;
	s16 =	smov.u32 s17;
	s19 =	sadd.s32 $0xA, s17  }
0x22: {  	[tilespmem:s13], [sflag:$0x1] =	stream.linear.gather [hbm4b:s18+s5], $0x50, $0x38;
	[tilespmem:$0x5000] =	vst v63  }
0x23: {  	p0 =	sne.s32 s17, $0x4D8;
	_ =	swait.ge [sflag:s10], $0x50  }
.Ltmp0:
0x24: {  	[sflag:s10] =	ssyncset.done $0x0;
	(pc) =	sbr.rel @p0 .LBB2_2-.Ltmp0, $4  }
0x25: {  	[sflag:s10] =	ssyncadd.s32 $0xFFFFFFB0  }
0x26: {  	[spmem:s4] =	stream.indirect.scatter.add.f32 [tilespmem:s9], [sflag:$0x1], $0x10, s13, s14, $0xb8;
	[tilespmem:$0x5000] =	vst v63  }
0x27: {  	_ =	swait.ge [sflag:s10], $0x500  }
0x28: {  	s17 =	smov.u32 s19;
	[sflag:s10] =	ssyncset.done $0x0  }
0x29: {  	s16 =	sadd.s32 s16, s8;
	[sflag:s10] =	ssyncadd.s32 $0xFFFFFB00  }
0x2a: {  	[tilespmem:s13], [sflag:$0x1] =	stream.linear.gather [hbm4b:s16+s5], $0x50, $0x38;
	[tilespmem:$0x5000] =	vst v63  }
0x2b: {  	_ =	swait.ge [sflag:s10], $0x50  }
0x2c: {  	[sflag:s10] =	ssyncset.done $0x0  }
0x2d: {  	[sflag:s10] =	ssyncadd.s32 $0xFFFFFFB0  }
0x2e: {  	[spmem:s4] =	stream.indirect.scatter.add.f32 [tilespmem:s9], [sflag:$0x1], $0x10, s13, s14, $0xb8;
	[tilespmem:$0x5000] =	vst v63  }
0x2f: {  	_ =	swait.ge [sflag:s10], $0x500  }
0x30: {  	s15 =	sadd.s32 $0x1, s15;
	[sflag:s10] =	ssyncset.done $0x0  }
0x31: {  	p0 =	sne.s32 s15, s7;
	[sflag:s10] =	ssyncadd.s32 $0xFFFFFB00  }
.Ltmp1:
0x32: {  	[bflag:$0x0] =	sbarrier.arrive $0xFFFF;
	(pc) =	sbr.rel @p0 .LBB2_1-.Ltmp1, $4  }
0x33: {  	[hbm:s6], [sflag:s11] =	dma.local [spmem:s12], $0x2780  }
0x34: {  	_ =	swait.ge [sflag:s10], $0x2780  }
0x35: {  	[sflag:s10] =	ssyncset.done $0x0  }
0x36: {  	[sflag:s10] =	ssyncadd.s32 $0xFFFFD880  }
0x37: {  	_ =	sfence.sel $0x180000  }
0x38: {  	[bflag:$0x0] =	sbarrier.arrive $0xFFFF  }
0x39: {  	p0 =	sne.s32 s0, $0x0;
	_ =	strace $0x90000047  }
0x3a: {  	s0 =	sadd.s32 @!p0 $0x100000, s2;
	[bflag:$0x2] =	sbarrier.arrive $0xFFFF  }
0x3b: {  	[sflag:s0] =	ssyncadd.tile.s32 @!p0 $0x1;
	_ =	shalt  }
.Lfunc_end2:
_tile_overlayer_lowered:
.L_overlay_start_2:
0x3c: {  	(tag) =	ssettag $0x2  }
0x3d: {  	s0 =	rddreg [dreg:$0x0];
	s2 =	stileid.u32  }
0x3e: {  	s1 =	rddreg [dreg:$0x1];
	p0 =	sne.s32 s2, $0x0  }
0x3f: {  	s3 =	rddreg [dreg:$0x2];
	[bflag:$0x3] =	sbarrier.arrive $0xFFFF;
	s2 =	simm.s32 @!p0 $0x1C01  }
0x40: {  	[timem:s3], [sflag:s2] =	dma.local @!p0 [hbm:s0], s1  }
0x41: {  	s0 =	simm.s32 @!p0 $0x1  }
0x42: {  	_ =	swait.ge @!p0 [sflag:s0], s1  }
0x43: {  	s1 =	ssub.s32 @!p0 $0x0, s1;
	[sflag:s0] =	ssyncset.done @!p0 $0x0  }
0x44: {  	[sflag:s0] =	ssyncadd.s32 @!p0 s1  }
0x45: {  	[bflag:$0x3] =	sbarrier.arrive $0xFFFF  }
0x46: {  	_ =	shalt  }

// kernel: kernel.17.cloned.1.call-start
scs
__scs_entry_jumppad:
0x0: {  	(pc) =	sbr.rel $0x88, $3  }
0x1: {  	(tag) =	ssettag $0x0;
	lr =	simm.s32 $0x1  }
0x2: {  	[smem:$0x3F9A] =	sst lr;
	_ =	strace $0xD0000000  }
0x3: {  	_ = 	snop  }
0x4: {  	_ = 	snop  }
0x5: {  	_ = 	snop  }
0x6: {  	_ = 	snop  }
0x7: {  	_ = 	snop  }
__scs_overlays_trampoline_lowered:
0x8: {  	[smem:$0x3FA9] =	sst s0  }
0x9: {  	[smem:$0x3FAA] =	sst s1  }
0xa: {  	[smem:$0x3FAB] =	sst s2  }
0xb: {  	[smem:$0x3FAC] =	sst s3  }
0xc: {  	[smem:$0x3FAD] =	sst s4  }
0xd: {  	[smem:$0x3FAE] =	sst s5  }
0xe: {  	[smem:$0x3FAF] =	sst s6  }
0xf: {  	[smem:$0x3FB0] =	sst s7  }
0x10: {  	[smem:$0x3FB1] =	sst s8  }
0x11: {  	[smem:$0x3FB2] =	sst s9;
	s0 =	simm.s32 @!p0 $0x0  }
0x12: {  	s1 =	sld [smem:$0x3F98];
	s0 =	simm.s32 @p0 $0x1  }
0x13: {  	[smem:$0x3FB3] =	sst s0;
	s0 =	simm.s32 @!p1 $0x0  }
0x14: {  	s2 =	sld [smem:$0x3F97];
	s0 =	simm.s32 @p1 $0x1  }
0x15: {  	[smem:$0x3FB4] =	sst s0;
	s0 =	simm.s32 @!p2 $0x0  }
0x16: {  	s3 =	sld [smem:$0x3FDB];
	s0 =	simm.s32 @p2 $0x1  }
0x17: {  	s4 =	simm.s32 $0x1BF5;
	[smem:$0x3FB6] =	sst s0  }
0x18: {  	s0 =	sld [smem:$0x3F99];
	_ =	swait.ge [sflag:s4], $0x0  }
0x19: {  	s7 =	sld [smem:$0x3F9A]  }
0x1a: {  	s8 =	sadd.s32 $0xFFFFE003, lr  }
0x1b: {  	s9 =	sadd.s32 $0xFFFFFEF7, lr;
	s5 =	simm.s32 $0xFFFFFFFF;
	p2 =	slt.u32 s8, $0xFFFFF086  }
0x1c: {  	p1 =	slt.u32 s9, $0xF7A;
	s5 =	simm.s32 @!p2 $0x0  }
0x1d: {  	s5 =	simm.s32 @p1 $0x1;
	p0 =	seq.s32 s7, s2  }
0x1e: {  	s7 =	smul.u32 @!p0 $0xF7A, s2;
	p2 =	seq.s32 @!p0 s5, $0x0  }
0x1f: {  	s9 =	smul.u32 $0xF7A, s1;
	s8 =	simm.s32 @!p0 $0x1BF5;
	p2 =	por !p2, p0  }
0x20: {  	[sflag:s8] =	ssyncset.s32 @!p0 $0xFFFFF086;
	s6 =	sadd.s32 @!p0 s3, s7;
	s7 =	simm.s32 @!p0 $0x108  }
0x21: {  	s3 =	sadd.s32 s3, s9;
	s6 =	sadd.s32 @!p0 $0x88, s6;
	s7 =	simm.s32 @p2 $0x1082  }
0x22: {  	[simem:s7], [sflag:s8] =	dma.local @!p0 [hbm:s6], $0xF7A  }
0x23: {  	s9 =	sor.u32 $0xD0000000, s2;
	s6 =	simm.s32 $0x108;
	_ =	swait.ge @!p0 [sflag:s8], $0x0  }
0x24: {  	s3 =	sadd.s32 $0x88, s3;
	s6 =	simm.s32 @!p1 $0x1082;
	[sflag:s4] =	ssyncset.s32 $0xFFFFF086  }
0x25: {  	[simem:s6], [sflag:s4] =	dma.local [hbm:s3], $0xF7A  }
0x26: {  	[smem:$0x3F9A] =	sst s1;
	(tag) =	ssettag s2;
	_ =	strace s9  }
0x27: {  	s1 =	sld [smem:$0x3FAA]  }
0x28: {  	s2 =	sld [smem:$0x3FAB]  }
0x29: {  	s4 =	sld [smem:$0x3FAD]  }
0x2a: {  	p0 =	seq.s32 s5, $0x0;
	s5 =	sld [smem:$0x3FAE]  }
0x2b: {  	s6 =	sld [smem:$0x3FAF]  }
0x2c: {  	s7 =	sld [smem:$0x3FB0]  }
0x2d: {  	s3 =	simm.s32 $0x108;
	s8 =	sld [smem:$0x3FB1]  }
0x2e: {  	s3 =	simm.s32 @!p0 $0x1082;
	s9 =	sld [smem:$0x3FB2]  }
0x2f: {  	lr =	sadd.s32 s0, s3;
	s0 =	sld [smem:$0x3FA9]  }
0x30: {  	s3 =	sld [smem:$0x3FAC]  }
0x31: {  	[smem:$0x3FB5] =	sst s10  }
0x32: {  	s10 =	sld [smem:$0x3FB3];
	_ =	sdelay $0x3  }
0x33: {  	p0 =	seq.s32 s10, $0x1;
	s10 =	sld [smem:$0x3FB5];
	_ =	sdelay $0x3  }
0x34: {  	[smem:$0x3FB5] =	sst s10  }
0x35: {  	s10 =	sld [smem:$0x3FB4];
	_ =	sdelay $0x3  }
0x36: {  	p1 =	seq.s32 s10, $0x1;
	s10 =	sld [smem:$0x3FB5];
	_ =	sdelay $0x3  }
0x37: {  	[smem:$0x3FB5] =	sst s10  }
0x38: {  	s10 =	sld [smem:$0x3FB6]  }
0x39: {  	_ = 	snop;
	(pc) =	sbr.ind lr, $3  }
0x3a: {  	_ = 	snop  }
0x3b: {  	_ = 	snop  }
0x3c: {  	p2 =	seq.s32 s10, $0x1;
	s10 =	sld [smem:$0x3FB5]  }
0x3d: {  	_ =	shalt  }
0x3e: {  	_ =	shalt  }
0x3f: {  	_ =	shalt  }
0x40: {  	_ =	shalt  }
0x41: {  	_ =	shalt  }
0x42: {  	_ =	shalt  }
0x43: {  	_ =	shalt  }
0x44: {  	_ =	shalt  }
0x45: {  	_ =	shalt  }
0x46: {  	_ =	shalt  }
0x47: {  	_ =	shalt  }
0x48: {  	_ =	shalt  }
0x49: {  	_ =	shalt  }
0x4a: {  	_ =	shalt  }
0x4b: {  	_ =	shalt  }
0x4c: {  	_ =	shalt  }
0x4d: {  	_ =	shalt  }
0x4e: {  	_ =	shalt  }
0x4f: {  	_ =	shalt  }
0x50: {  	_ =	shalt  }
0x51: {  	_ =	shalt  }
0x52: {  	_ =	shalt  }
0x53: {  	_ =	shalt  }
0x54: {  	_ =	shalt  }
0x55: {  	_ =	shalt  }
0x56: {  	_ =	shalt  }
0x57: {  	_ =	shalt  }
0x58: {  	_ =	shalt  }
0x59: {  	_ =	shalt  }
0x5a: {  	_ =	shalt  }
0x5b: {  	_ =	shalt  }
0x5c: {  	_ =	shalt  }
0x5d: {  	_ =	shalt  }
0x5e: {  	_ =	shalt  }
0x5f: {  	_ =	shalt  }
0x60: {  	_ =	shalt  }
0x61: {  	_ =	shalt  }
0x62: {  	_ =	shalt  }
0x63: {  	_ =	shalt  }
0x64: {  	_ =	shalt  }
0x65: {  	_ =	shalt  }
0x66: {  	_ =	shalt  }
0x67: {  	_ =	shalt  }
0x68: {  	_ =	shalt  }
0x69: {  	_ =	shalt  }
0x6a: {  	_ =	shalt  }
0x6b: {  	_ =	shalt  }
0x6c: {  	_ =	shalt  }
0x6d: {  	_ =	shalt  }
0x6e: {  	_ =	shalt  }
0x6f: {  	_ =	shalt  }
0x70: {  	_ =	shalt  }
0x71: {  	_ =	shalt  }
0x72: {  	_ =	shalt  }
0x73: {  	_ =	shalt  }
0x74: {  	_ =	shalt  }
0x75: {  	_ =	shalt  }
0x76: {  	_ =	shalt  }
0x77: {  	_ =	shalt  }
0x78: {  	_ =	shalt  }
0x79: {  	_ =	shalt  }
0x7a: {  	_ =	shalt  }
0x7b: {  	_ =	shalt  }
0x7c: {  	_ =	shalt  }
0x7d: {  	_ =	shalt  }
0x7e: {  	_ =	shalt  }
0x7f: {  	_ =	shalt  }
0x80: {  	_ =	shalt  }
0x81: {  	_ =	shalt  }
0x82: {  	_ =	shalt  }
0x83: {  	_ =	shalt  }
0x84: {  	_ =	shalt  }
0x85: {  	_ =	shalt  }
0x86: {  	_ =	shalt  }
0x87: {  	_ =	shalt  }
.Lfunc_end0:
.L_simem_size_0:
called_computation.1_lowered:
.L_overlay_start_0:
0x88: {  	s2 =	sld [smem:$0x3FD9]  }
0x89: {  	s3 =	sld [smem:$0x3FFE];
	_ =	sdelay $0x1  }
0x8a: {  	s1 =	srdreg.scid  }
0x8b: {  	s0 =	sand.u32 $0x1, s1  }
0x8c: {  	s14 =	sshll.u32 s0, $0xA;
	s2 =	sadd.s32 s3, s2  }
0x8d: {  	s2 =	sadd.s32 s2, s14  }
0x8e: {  	[smem:$0x3FC1] =	sst s2  }
0x8f: {  	_ = 	snop  }
0x90: {  	s2 =	sld [smem:$0x3FD0];
	_ =	sdelay $0x2  }
0x91: {  	s15 =	simm.s32 $0xA;
	s4 =	simm.s32 $0x10  }
0x92: {  	[smem:s4], [sflag:s15] =	dma.local [hbm:s2], $0x1  }
0x93: {  	_ =	swait.eq [sflag:s15], $0x1  }
0x94: {  	[sflag:s15] =	ssyncset.done $0x0  }
0x95: {  	[sflag:s15] =	ssyncadd.s32 $0xFFFFFFFF  }
0x96: {  	s16 =	sld [smem:$0x10];
	(tm) =	ssettm $0x1  }
0x97: {  	s17 =	sld [smem:$0x3FFB];
	_ =	sdelay $0x3  }
0x98: {  	_ =	strace s17  }
0x99: {  	s3 =	sld [smem:$0x3FFC];
	_ =	sdelay $0x3  }
0x9a: {  	_ =	strace s3  }
0x9b: {  	s3 =	sld [smem:$0x3FFD];
	_ =	sdelay $0x3  }
0x9c: {  	_ =	strace s3  }
0x9d: {  	_ =	strace $0x8FFFFFFF  }
0x9e: {  	s18 =	sld [smem:$0x3FDB];
	_ =	sdelay $0x1  }
0x9f: {  	s19 =	simm.s32 $_scs_section_size  }
0xa0: {  	s5 =	simm.s32 $_size__tile_overlayer_lowered;
	s6 =	simm.s32 $_tile_overlayer_lowered  }
0xa1: {  	s22 =	simm.s32 $0x1BFF;
	s21 =	sshll.u32 s6, $0x1;
	s3 =	sadd.s32 s19, s18  }
0xa2: {  	s7 =	simm.s32 $0x0;
	s20 =	sshll.u32 s5, $0x1;
	s5 =	sadd.s32 s21, s3  }
0xa3: {  	[timem:s7], [sflag:s22] =	dma.local [hbm:s5], s20  }
0xa4: {  	_ =	swait.ge [sflag:s22], s20  }
0xa5: {  	s4 =	ssub.s32 $0x0, s20;
	[sflag:s22] =	ssyncset.done $0x0  }
0xa6: {  	[sflag:s22] =	ssyncadd.s32 s4;
	_ =	sdelay $0x1  }
0xa7: {  	s23 =	simm.s32 $0x1B8B  }
0xa8: {  	_ =	swait.ge [sflag:s23], $0x1  }
0xa9: {  	[sflag:s23] =	ssyncset.done $0x0  }
0xaa: {  	s25 =	simm.s32 $0x1B8E;
	s24 =	sld [smem:$0x3FFE];
	[sflag:s23] =	ssyncadd.s32 $0xFFFFFFFF  }
0xab: {  	s26 =	simm.s32 $execute0_lowered;
	[smem:$0x3FD2] =	sst s25  }
0xac: {  	s5 =	sshll.u32 s26, $0x1;
	_ =	strace $0x80000049;
	[dreg:$0x1] =	wrdreg $0xFFFFFFFF  }
0xad: {  	s28 =	simm.s32 $_size_execute0_lowered;
	s3 =	sadd.s32 s3, s5;
	[dreg:$0x0] =	wrdreg $0x0  }
0xae: {  	s5 =	sshll.u32 s28, $0x1;
	[dreg:$0x2] =	wrdreg s3  }
0xaf: {  	[dreg:$0x3] =	wrdreg s5  }
0xb0: {  	[dreg:$0x4] =	wrdreg $0xC0  }
0xb1: {  	_ =	task [dreg:s7], $0x5FFFF  }
0xb2: {  	[dreg:$0x1] =	wrdreg $0xFFFFFFFF  }
0xb3: {  	[dreg:$0x0] =	wrdreg $0x60  }
0xb4: {  	[dreg:$0x2] =	wrdreg s16  }
0xb5: {  	[dreg:$0x3] =	wrdreg s24  }
0xb6: {  	[dreg:$0x4] =	wrdreg $0x0  }
0xb7: {  	[dreg:$0x5] =	wrdreg $0x9  }
0xb8: {  	_ =	task.clear_ibuf [dreg:s7], $0x6FFFF;
	_ =	strace $0x90000049  }
0xb9: {  	s29 =	simm.s32 $0x9;
	_ =	strace $0x8000004B  }
0xba: {  	_ =	swait.ge [sflag:s29], $0x1  }
0xbb: {  	[sflag:s29] =	ssyncadd.s32 $0xFFFFFFFF  }
0xbc: {  	_ =	strace $0x9000004B  }
0xbd: {  	_ =	sfence  }
0xbe: {  	s30 =	sld [smem:$0x0];
	_ =	sdelay $0x2  }
0xbf: {  	s31 =	sshll.u32 s1, $0xD;
	s1 =	sshrl.u32 s1, $0x2  }
0xc0: {  	s3 =	sand.u32 $0x4000, s31;
	s1 =	sadd.s32 s1, s30  }
0xc1: {  	s0 =	sor.u32 s3, s0;
	s1 =	sshll.u32 s1, $0x11  }
0xc2: {  	s0 =	sor.u32 s1, s0  }
0xc3: {  	s0 =	sadd.s32 $0x8F2B, s0  }
0xc4: {  	[sflag:s0] =	ssyncadd.remote.s32 $0x1  }
0xc5: {  	_ =	sfence.sel $0xFFFF  }
0xc6: {  	[dreg:$0x0] =	wrdreg $0xFFFFFFFF;
	(pc) =	sbr.abs _section_cstart, $3  }
0xc7: {  	[dreg:$0x1] =	wrdreg $0xFFFFFFFF  }
0xc8: {  	_ =	task.clear_ibuf [dreg:s7], $0x2FFFF;
	_ =	strace $0x9FFFFFFF  }
0xc9: {  	(tm) =	ssettm $0x7FFFFFFF  }
tec
execute0_lowered:
.L_overlay_start_1:
0x0: {  	(tag) =	ssettag $0x1  }
0x1: {  	s1 =	rddreg [dreg:$0x0]  }
0x2: {  	s7 =	rddreg [dreg:$0x1]  }
0x3: {  	s3 =	rddreg [dreg:$0x2]  }
0x4: {  	s0 =	srdreg.scid;
	s2 =	rddreg [dreg:$0x3]  }
0x5: {  	s4 =	simm.s32 $0x0;
	s13 =	simm.s32 $0x13C00;
	s6 =	sand.u32 $0x1, s0  }
0x6: {  	s14 =	simm.s32 $0x13C80;
	s0 =	stileid.u32;
	s5 =	smul.u32 $0x27100, s6  }
0x7: {  	s15 =	simm.s32 $0x50;
	s16 =	simm.s32 $0x13D00;
	s8 =	smul.u32 $0x2710, s0  }
0x8: {  	s17 =	simm.s32 $0x1;
	[smem:$0x7FF] =	sst s4;
	s9 =	smul.u32 $0x13C000, s6  }
0x9: {  	s18 =	simm.s32 $0x0;
	s10 =	smul.u32 $0x13C00, s0;
	_ =	strace $0x8000004A  }
0xa: {  	s30 =	smul.u32 $0x4F000, s0;
	s6 =	ssub.s32 $0x2, s6;
	s11 =	sshll.u32 s0, $0x6  }
0xb: {  	s31 =	sshrl.u32 s6, $0x1;
	s5 =	sadd.s32 s8, s5;
	s28 =	sadd.s32 s10, s9  }
0xc: {  	s9 =	sshrl.u32 s30, $0x2;
	s5 =	sshrl.u32 s5, $0x3;
	s8 =	sshrl.u32 s28, $0x3  }
0xd: {  	s12 =	sadd.s32 s9, s3;
	s29 =	sadd.s32 s5, s7;
	s5 =	sadd.s32 $0x16A00, s7  }
0xe: {  	s7 =	sadd.s32 s8, s7;
	s8 =	ssub.s32 s6, s31;
	s6 =	sor.u32 $0x1C02, s11  }
0xf: {  	s11 =	sshrl.u32 s12, $0x3;
	s12 =	simm.s32 $0x2;
	s7 =	sadd.s32 $0x19200, s7  }
0x10: {  	s8 =	smax.u32 s8, $0x1;
	s9 =	sadd.s32 $0xCC00, s29;
	s10 =	sadd.s32 $0x2E00, s29  }
.LBB2_1:
0x11: {  	[spmem:s11], [sflag:s6] =	dma.local [hbm:s5], $0x2780  }
0x12: {  	_ =	swait.ge [sflag:s12], $0x2780  }
0x13: {  	[sflag:s12] =	ssyncset.done $0x0  }
0x14: {  	[sflag:s12] =	ssyncadd.s32 $0xFFFFD880  }
0x15: {  	s19 =	sadd.s32 $0x0, s10;
	[bflag:$0x0] =	sbarrier.arrive $0xFFFF  }
0x16: {  	[tilespmem:s13], [sflag:$0x2] =	stream.linear.gather [hbm4b:s19+s4], $0x50, $0x38;
	[tilespmem:$0x16500] =	vst v63  }
0x17: {  	_ =	swait.ge [sflag:s12], $0x50  }
0x18: {  	[sflag:s12] =	ssyncset.done $0x0  }
0x19: {  	s31 =	sadd.s32 $0x0, s9;
	[sflag:s12] =	ssyncadd.s32 $0xFFFFFFB0  }
0x1a: {  	[tilespmem:s14], [sflag:$0x2] =	stream.linear.gather [hbm4b:s31+s4], $0x50, $0x38;
	[tilespmem:$0x16500] =	vst v63  }
0x1b: {  	_ =	swait.ge [sflag:s12], $0x50  }
0x1c: {  	[sflag:s12] =	ssyncset.done $0x0  }
0x1d: {  	[sflag:s12] =	ssyncadd.s32 $0xFFFFFFB0  }
0x1e: {  	[tilespmem:s16], [sflag:$0x1] =	stream.indirect.gather [hbm4b:s1+s15], $0x80, s13, s15, $0xb8;
	[tilespmem:$0x16500] =	vst v63  }
0x1f: {  	_ =	swait.ge [sflag:s17], $0x2800  }
0x20: {  	[sflag:s17] =	ssyncset.done $0x0  }
0x21: {  	[sflag:s17] =	ssyncadd.s32 $0xFFFFD800  }
0x22: {  	[spmem:s3] =	stream.indirect.scatter.add.f32 [tilespmem:s16], [sflag:$0x2], $0x80, s14, s15, $0xb8;
	[tilespmem:$0x16500] =	vst v63  }
0x23: {  	_ =	swait.ge [sflag:s12], $0x2800  }
0x24: {  	s20 =	simm.s32 $0x14;
	s19 =	simm.s32 $0xA;
	[sflag:s12] =	ssyncset.done $0x0  }
.LBB2_2:
0x25: {  	s21 =	sadd.s32 s19, s10  }
0x26: {  	[sflag:s12] =	ssyncadd.s32 $0xFFFFD800;
	s22 =	smov.u32 s20;
	s23 =	sadd.s32 $0xA, s20  }
0x27: {  	[tilespmem:s13], [sflag:$0x2] =	stream.linear.gather [hbm4b:s21+s4], $0x50, $0x38;
	[tilespmem:$0x16500] =	vst v63  }
0x28: {  	p0 =	sne.s32 s20, $0x4D8;
	_ =	swait.ge [sflag:s12], $0x50  }
0x29: {  	[sflag:s12] =	ssyncset.done $0x0  }
0x2a: {  	s20 =	sadd.s32 s19, s9;
	s19 =	smov.u32 s22;
	[sflag:s12] =	ssyncadd.s32 $0xFFFFFFB0  }
0x2b: {  	[tilespmem:s14], [sflag:$0x2] =	stream.linear.gather [hbm4b:s20+s4], $0x50, $0x38;
	[tilespmem:$0x16500] =	vst v63  }
0x2c: {  	_ =	swait.ge [sflag:s12], $0x50  }
0x2d: {  	[sflag:s12] =	ssyncset.done $0x0  }
0x2e: {  	[sflag:s12] =	ssyncadd.s32 $0xFFFFFFB0  }
0x2f: {  	[tilespmem:s16], [sflag:$0x1] =	stream.indirect.gather [hbm4b:s1+s15], $0x80, s13, s15, $0xb8;
	[tilespmem:$0x16500] =	vst v63  }
0x30: {  	_ =	swait.ge [sflag:s17], $0x2800  }
.Ltmp0:
0x31: {  	[sflag:s17] =	ssyncset.done $0x0;
	(pc) =	sbr.rel @p0 .LBB2_2-.Ltmp0, $4  }
0x32: {  	[sflag:s17] =	ssyncadd.s32 $0xFFFFD800  }
0x33: {  	[spmem:s3] =	stream.indirect.scatter.add.f32 [tilespmem:s16], [sflag:$0x2], $0x80, s14, s15, $0xb8;
	[tilespmem:$0x16500] =	vst v63  }
0x34: {  	_ =	swait.ge [sflag:s12], $0x2800  }
0x35: {  	s20 =	smov.u32 s23;
	[sflag:s12] =	ssyncset.done $0x0  }
0x36: {  	s20 =	sadd.s32 s19, s10;
	[sflag:s12] =	ssyncadd.s32 $0xFFFFD800  }
0x37: {  	[tilespmem:s13], [sflag:$0x2] =	stream.linear.gather [hbm4b:s20+s4], $0x50, $0x38;
	[tilespmem:$0x16500] =	vst v63  }
0x38: {  	_ =	swait.ge [sflag:s12], $0x50  }
0x39: {  	[sflag:s12] =	ssyncset.done $0x0  }
0x3a: {  	s31 =	sadd.s32 s19, s9;
	[sflag:s12] =	ssyncadd.s32 $0xFFFFFFB0  }
0x3b: {  	[tilespmem:s14], [sflag:$0x2] =	stream.linear.gather [hbm4b:s31+s4], $0x50, $0x38;
	[tilespmem:$0x16500] =	vst v63  }
0x3c: {  	_ =	swait.ge [sflag:s12], $0x50  }
0x3d: {  	[sflag:s12] =	ssyncset.done $0x0  }
0x3e: {  	[sflag:s12] =	ssyncadd.s32 $0xFFFFFFB0  }
0x3f: {  	[tilespmem:s16], [sflag:$0x1] =	stream.indirect.gather [hbm4b:s1+s15], $0x80, s13, s15, $0xb8;
	[tilespmem:$0x16500] =	vst v63  }
0x40: {  	_ =	swait.ge [sflag:s17], $0x2800  }
0x41: {  	[sflag:s17] =	ssyncset.done $0x0  }
0x42: {  	[sflag:s17] =	ssyncadd.s32 $0xFFFFD800  }
0x43: {  	[spmem:s3] =	stream.indirect.scatter.add.f32 [tilespmem:s16], [sflag:$0x2], $0x80, s14, s15, $0xb8;
	[tilespmem:$0x16500] =	vst v63  }
0x44: {  	_ =	swait.ge [sflag:s12], $0x2800  }
0x45: {  	s18 =	sadd.s32 $0x1, s18;
	[sflag:s12] =	ssyncset.done $0x0  }
0x46: {  	p0 =	sne.s32 s18, s8;
	[sflag:s12] =	ssyncadd.s32 $0xFFFFD800  }
.Ltmp1:
0x47: {  	[bflag:$0x0] =	sbarrier.arrive $0xFFFF;
	(pc) =	sbr.rel @p0 .LBB2_1-.Ltmp1, $4  }
0x48: {  	[hbm:s7], [sflag:s6] =	dma.local [spmem:s11], $0x2780  }
0x49: {  	_ =	swait.ge [sflag:s12], $0x2780  }
0x4a: {  	[sflag:s12] =	ssyncset.done $0x0  }
0x4b: {  	[sflag:s12] =	ssyncadd.s32 $0xFFFFD880  }
0x4c: {  	_ =	sfence.sel $0x180000  }
0x4d: {  	[bflag:$0x0] =	sbarrier.arrive $0xFFFF  }
0x4e: {  	p0 =	sne.s32 s0, $0x0;
	_ =	strace $0x9000004A  }
0x4f: {  	s0 =	sadd.s32 @!p0 $0x100000, s2;
	[bflag:$0x2] =	sbarrier.arrive $0xFFFF  }
0x50: {  	[sflag:s0] =	ssyncadd.tile.s32 @!p0 $0x1;
	_ =	shalt  }
.Lfunc_end2:
_tile_overlayer_lowered:
.L_overlay_start_2:
0x51: {  	(tag) =	ssettag $0x2  }
0x52: {  	s0 =	rddreg [dreg:$0x0];
	s2 =	stileid.u32  }
0x53: {  	s1 =	rddreg [dreg:$0x1];
	p0 =	sne.s32 s2, $0x0  }
0x54: {  	s3 =	rddreg [dreg:$0x2];
	[bflag:$0x3] =	sbarrier.arrive $0xFFFF;
	s2 =	simm.s32 @!p0 $0x1C02  }
0x55: {  	[timem:s3], [sflag:s2] =	dma.local @!p0 [hbm:s0], s1  }
0x56: {  	s0 =	simm.s32 @!p0 $0x2  }
0x57: {  	_ =	swait.ge @!p0 [sflag:s0], s1  }
0x58: {  	s1 =	ssub.s32 @!p0 $0x0, s1;
	[sflag:s0] =	ssyncset.done @!p0 $0x0  }
0x59: {  	[sflag:s0] =	ssyncadd.s32 @!p0 s1  }
0x5a: {  	[bflag:$0x3] =	sbarrier.arrive $0xFFFF  }
0x5b: {  	_ =	shalt  }

// kernel: kernel.20.cloned.1.call-start
scs
__scs_entry_jumppad:
0x0: {  	(pc) =	sbr.rel $0x88, $3  }
0x1: {  	(tag) =	ssettag $0x0;
	lr =	simm.s32 $0x1  }
0x2: {  	[smem:$0x3F9A] =	sst lr;
	_ =	strace $0xD0000000  }
0x3: {  	_ = 	snop  }
0x4: {  	_ = 	snop  }
0x5: {  	_ = 	snop  }
0x6: {  	_ = 	snop  }
0x7: {  	_ = 	snop  }
__scs_overlays_trampoline_lowered:
0x8: {  	[smem:$0x3FA9] =	sst s0  }
0x9: {  	[smem:$0x3FAA] =	sst s1  }
0xa: {  	[smem:$0x3FAB] =	sst s2  }
0xb: {  	[smem:$0x3FAC] =	sst s3  }
0xc: {  	[smem:$0x3FAD] =	sst s4  }
0xd: {  	[smem:$0x3FAE] =	sst s5  }
0xe: {  	[smem:$0x3FAF] =	sst s6  }
0xf: {  	[smem:$0x3FB0] =	sst s7  }
0x10: {  	[smem:$0x3FB1] =	sst s8  }
0x11: {  	[smem:$0x3FB2] =	sst s9;
	s0 =	simm.s32 @!p0 $0x0  }
0x12: {  	s1 =	sld [smem:$0x3F98];
	s0 =	simm.s32 @p0 $0x1  }
0x13: {  	[smem:$0x3FB3] =	sst s0;
	s0 =	simm.s32 @!p1 $0x0  }
0x14: {  	s2 =	sld [smem:$0x3F97];
	s0 =	simm.s32 @p1 $0x1  }
0x15: {  	[smem:$0x3FB4] =	sst s0;
	s0 =	simm.s32 @!p2 $0x0  }
0x16: {  	s3 =	sld [smem:$0x3FDB];
	s0 =	simm.s32 @p2 $0x1  }
0x17: {  	s4 =	simm.s32 $0x1BF5;
	[smem:$0x3FB6] =	sst s0  }
0x18: {  	s0 =	sld [smem:$0x3F99];
	_ =	swait.ge [sflag:s4], $0x0  }
0x19: {  	s7 =	sld [smem:$0x3F9A]  }
0x1a: {  	s8 =	sadd.s32 $0xFFFFE003, lr  }
0x1b: {  	s9 =	sadd.s32 $0xFFFFFEF7, lr;
	s5 =	simm.s32 $0xFFFFFFFF;
	p2 =	slt.u32 s8, $0xFFFFF086  }
0x1c: {  	p1 =	slt.u32 s9, $0xF7A;
	s5 =	simm.s32 @!p2 $0x0  }
0x1d: {  	s5 =	simm.s32 @p1 $0x1;
	p0 =	seq.s32 s7, s2  }
0x1e: {  	s7 =	smul.u32 @!p0 $0xF7A, s2;
	p2 =	seq.s32 @!p0 s5, $0x0  }
0x1f: {  	s9 =	smul.u32 $0xF7A, s1;
	s8 =	simm.s32 @!p0 $0x1BF5;
	p2 =	por !p2, p0  }
0x20: {  	[sflag:s8] =	ssyncset.s32 @!p0 $0xFFFFF086;
	s6 =	sadd.s32 @!p0 s3, s7;
	s7 =	simm.s32 @!p0 $0x108  }
0x21: {  	s3 =	sadd.s32 s3, s9;
	s6 =	sadd.s32 @!p0 $0x88, s6;
	s7 =	simm.s32 @p2 $0x1082  }
0x22: {  	[simem:s7], [sflag:s8] =	dma.local @!p0 [hbm:s6], $0xF7A  }
0x23: {  	s9 =	sor.u32 $0xD0000000, s2;
	s6 =	simm.s32 $0x108;
	_ =	swait.ge @!p0 [sflag:s8], $0x0  }
0x24: {  	s3 =	sadd.s32 $0x88, s3;
	s6 =	simm.s32 @!p1 $0x1082;
	[sflag:s4] =	ssyncset.s32 $0xFFFFF086  }
0x25: {  	[simem:s6], [sflag:s4] =	dma.local [hbm:s3], $0xF7A  }
0x26: {  	[smem:$0x3F9A] =	sst s1;
	(tag) =	ssettag s2;
	_ =	strace s9  }
0x27: {  	s1 =	sld [smem:$0x3FAA]  }
0x28: {  	s2 =	sld [smem:$0x3FAB]  }
0x29: {  	s4 =	sld [smem:$0x3FAD]  }
0x2a: {  	p0 =	seq.s32 s5, $0x0;
	s5 =	sld [smem:$0x3FAE]  }
0x2b: {  	s6 =	sld [smem:$0x3FAF]  }
0x2c: {  	s7 =	sld [smem:$0x3FB0]  }
0x2d: {  	s3 =	simm.s32 $0x108;
	s8 =	sld [smem:$0x3FB1]  }
0x2e: {  	s3 =	simm.s32 @!p0 $0x1082;
	s9 =	sld [smem:$0x3FB2]  }
0x2f: {  	lr =	sadd.s32 s0, s3;
	s0 =	sld [smem:$0x3FA9]  }
0x30: {  	s3 =	sld [smem:$0x3FAC]  }
0x31: {  	[smem:$0x3FB5] =	sst s10  }
0x32: {  	s10 =	sld [smem:$0x3FB3];
	_ =	sdelay $0x3  }
0x33: {  	p0 =	seq.s32 s10, $0x1;
	s10 =	sld [smem:$0x3FB5];
	_ =	sdelay $0x3  }
0x34: {  	[smem:$0x3FB5] =	sst s10  }
0x35: {  	s10 =	sld [smem:$0x3FB4];
	_ =	sdelay $0x3  }
0x36: {  	p1 =	seq.s32 s10, $0x1;
	s10 =	sld [smem:$0x3FB5];
	_ =	sdelay $0x3  }
0x37: {  	[smem:$0x3FB5] =	sst s10  }
0x38: {  	s10 =	sld [smem:$0x3FB6]  }
0x39: {  	_ = 	snop;
	(pc) =	sbr.ind lr, $3  }
0x3a: {  	_ = 	snop  }
0x3b: {  	_ = 	snop  }
0x3c: {  	p2 =	seq.s32 s10, $0x1;
	s10 =	sld [smem:$0x3FB5]  }
0x3d: {  	_ =	shalt  }
0x3e: {  	_ =	shalt  }
0x3f: {  	_ =	shalt  }
0x40: {  	_ =	shalt  }
0x41: {  	_ =	shalt  }
0x42: {  	_ =	shalt  }
0x43: {  	_ =	shalt  }
0x44: {  	_ =	shalt  }
0x45: {  	_ =	shalt  }
0x46: {  	_ =	shalt  }
0x47: {  	_ =	shalt  }
0x48: {  	_ =	shalt  }
0x49: {  	_ =	shalt  }
0x4a: {  	_ =	shalt  }
0x4b: {  	_ =	shalt  }
0x4c: {  	_ =	shalt  }
0x4d: {  	_ =	shalt  }
0x4e: {  	_ =	shalt  }
0x4f: {  	_ =	shalt  }
0x50: {  	_ =	shalt  }
0x51: {  	_ =	shalt  }
0x52: {  	_ =	shalt  }
0x53: {  	_ =	shalt  }
0x54: {  	_ =	shalt  }
0x55: {  	_ =	shalt  }
0x56: {  	_ =	shalt  }
0x57: {  	_ =	shalt  }
0x58: {  	_ =	shalt  }
0x59: {  	_ =	shalt  }
0x5a: {  	_ =	shalt  }
0x5b: {  	_ =	shalt  }
0x5c: {  	_ =	shalt  }
0x5d: {  	_ =	shalt  }
0x5e: {  	_ =	shalt  }
0x5f: {  	_ =	shalt  }
0x60: {  	_ =	shalt  }
0x61: {  	_ =	shalt  }
0x62: {  	_ =	shalt  }
0x63: {  	_ =	shalt  }
0x64: {  	_ =	shalt  }
0x65: {  	_ =	shalt  }
0x66: {  	_ =	shalt  }
0x67: {  	_ =	shalt  }
0x68: {  	_ =	shalt  }
0x69: {  	_ =	shalt  }
0x6a: {  	_ =	shalt  }
0x6b: {  	_ =	shalt  }
0x6c: {  	_ =	shalt  }
0x6d: {  	_ =	shalt  }
0x6e: {  	_ =	shalt  }
0x6f: {  	_ =	shalt  }
0x70: {  	_ =	shalt  }
0x71: {  	_ =	shalt  }
0x72: {  	_ =	shalt  }
0x73: {  	_ =	shalt  }
0x74: {  	_ =	shalt  }
0x75: {  	_ =	shalt  }
0x76: {  	_ =	shalt  }
0x77: {  	_ =	shalt  }
0x78: {  	_ =	shalt  }
0x79: {  	_ =	shalt  }
0x7a: {  	_ =	shalt  }
0x7b: {  	_ =	shalt  }
0x7c: {  	_ =	shalt  }
0x7d: {  	_ =	shalt  }
0x7e: {  	_ =	shalt  }
0x7f: {  	_ =	shalt  }
0x80: {  	_ =	shalt  }
0x81: {  	_ =	shalt  }
0x82: {  	_ =	shalt  }
0x83: {  	_ =	shalt  }
0x84: {  	_ =	shalt  }
0x85: {  	_ =	shalt  }
0x86: {  	_ =	shalt  }
0x87: {  	_ =	shalt  }
.Lfunc_end0:
.L_simem_size_0:
called_computation.2_lowered:
.L_overlay_start_0:
0x88: {  	s2 =	sld [smem:$0x3FD9]  }
0x89: {  	s3 =	sld [smem:$0x3FFE];
	_ =	sdelay $0x1  }
0x8a: {  	s1 =	srdreg.scid  }
0x8b: {  	s0 =	sand.u32 $0x1, s1  }
0x8c: {  	s14 =	sshll.u32 s0, $0xA;
	s2 =	sadd.s32 s3, s2  }
0x8d: {  	s2 =	sadd.s32 s2, s14  }
0x8e: {  	[smem:$0x3FC1] =	sst s2  }
0x8f: {  	_ = 	snop  }
0x90: {  	s2 =	sld [smem:$0x3FD0];
	_ =	sdelay $0x2  }
0x91: {  	s15 =	simm.s32 $0xA;
	s4 =	simm.s32 $0x10  }
0x92: {  	[smem:s4], [sflag:s15] =	dma.local [hbm:s2], $0x1  }
0x93: {  	_ =	swait.eq [sflag:s15], $0x1  }
0x94: {  	[sflag:s15] =	ssyncset.done $0x0  }
0x95: {  	[sflag:s15] =	ssyncadd.s32 $0xFFFFFFFF  }
0x96: {  	s16 =	sld [smem:$0x10];
	(tm) =	ssettm $0x1  }
0x97: {  	s17 =	sld [smem:$0x3FFB];
	_ =	sdelay $0x3  }
0x98: {  	_ =	strace s17  }
0x99: {  	s3 =	sld [smem:$0x3FFC];
	_ =	sdelay $0x3  }
0x9a: {  	_ =	strace s3  }
0x9b: {  	s3 =	sld [smem:$0x3FFD];
	_ =	sdelay $0x3  }
0x9c: {  	_ =	strace s3  }
0x9d: {  	_ =	strace $0x8FFFFFFF  }
0x9e: {  	s18 =	sld [smem:$0x3FDB];
	_ =	sdelay $0x1  }
0x9f: {  	s19 =	simm.s32 $_scs_section_size  }
0xa0: {  	s5 =	simm.s32 $_size__tile_overlayer_lowered;
	s6 =	simm.s32 $_tile_overlayer_lowered  }
0xa1: {  	s22 =	simm.s32 $0x1BFF;
	s21 =	sshll.u32 s6, $0x1;
	s3 =	sadd.s32 s19, s18  }
0xa2: {  	s7 =	simm.s32 $0x0;
	s20 =	sshll.u32 s5, $0x1;
	s5 =	sadd.s32 s21, s3  }
0xa3: {  	[timem:s7], [sflag:s22] =	dma.local [hbm:s5], s20  }
0xa4: {  	_ =	swait.ge [sflag:s22], s20  }
0xa5: {  	s4 =	ssub.s32 $0x0, s20;
	[sflag:s22] =	ssyncset.done $0x0  }
0xa6: {  	[sflag:s22] =	ssyncadd.s32 s4;
	_ =	sdelay $0x1  }
0xa7: {  	s23 =	simm.s32 $0x1B8B  }
0xa8: {  	_ =	swait.ge [sflag:s23], $0x1  }
0xa9: {  	[sflag:s23] =	ssyncset.done $0x0  }
0xaa: {  	s25 =	simm.s32 $0x1B8E;
	s24 =	sld [smem:$0x3FFE];
	[sflag:s23] =	ssyncadd.s32 $0xFFFFFFFF  }
0xab: {  	s26 =	simm.s32 $execute0_lowered;
	[smem:$0x3FD2] =	sst s25  }
0xac: {  	s5 =	sshll.u32 s26, $0x1;
	_ =	strace $0x8000004C;
	[dreg:$0x1] =	wrdreg $0xFFFFFFFF  }
0xad: {  	s28 =	simm.s32 $_size_execute0_lowered;
	s3 =	sadd.s32 s3, s5;
	[dreg:$0x0] =	wrdreg $0x0  }
0xae: {  	s5 =	sshll.u32 s28, $0x1;
	[dreg:$0x2] =	wrdreg s3  }
0xaf: {  	[dreg:$0x3] =	wrdreg s5  }
0xb0: {  	[dreg:$0x4] =	wrdreg $0xC0  }
0xb1: {  	_ =	task [dreg:s7], $0x5FFFF  }
0xb2: {  	[dreg:$0x1] =	wrdreg $0xFFFFFFFF  }
0xb3: {  	[dreg:$0x0] =	wrdreg $0x60  }
0xb4: {  	[dreg:$0x2] =	wrdreg s16  }
0xb5: {  	[dreg:$0x3] =	wrdreg s24  }
0xb6: {  	[dreg:$0x4] =	wrdreg $0x0  }
0xb7: {  	[dreg:$0x5] =	wrdreg $0x9  }
0xb8: {  	_ =	task.clear_ibuf [dreg:s7], $0x6FFFF;
	_ =	strace $0x9000004C  }
0xb9: {  	s29 =	simm.s32 $0x9;
	_ =	strace $0x8000004E  }
0xba: {  	_ =	swait.ge [sflag:s29], $0x1  }
0xbb: {  	[sflag:s29] =	ssyncadd.s32 $0xFFFFFFFF  }
0xbc: {  	_ =	strace $0x9000004E  }
0xbd: {  	_ =	sfence  }
0xbe: {  	s30 =	sld [smem:$0x0];
	_ =	sdelay $0x2  }
0xbf: {  	s31 =	sshll.u32 s1, $0xD;
	s1 =	sshrl.u32 s1, $0x2  }
0xc0: {  	s3 =	sand.u32 $0x4000, s31;
	s1 =	sadd.s32 s1, s30  }
0xc1: {  	s0 =	sor.u32 s3, s0;
	s1 =	sshll.u32 s1, $0x11  }
0xc2: {  	s0 =	sor.u32 s1, s0  }
0xc3: {  	s0 =	sadd.s32 $0x8F2B, s0  }
0xc4: {  	[sflag:s0] =	ssyncadd.remote.s32 $0x1  }
0xc5: {  	_ =	sfence.sel $0xFFFF  }
0xc6: {  	[dreg:$0x0] =	wrdreg $0xFFFFFFFF;
	(pc) =	sbr.abs _section_cstart, $3  }
0xc7: {  	[dreg:$0x1] =	wrdreg $0xFFFFFFFF  }
0xc8: {  	_ =	task.clear_ibuf [dreg:s7], $0x2FFFF;
	_ =	strace $0x9FFFFFFF  }
0xc9: {  	(tm) =	ssettm $0x7FFFFFFF  }
tec
execute0_lowered:
.L_overlay_start_1:
0x0: {  	(tag) =	ssettag $0x1  }
0x1: {  	s1 =	rddreg [dreg:$0x0]  }
0x2: {  	s7 =	rddreg [dreg:$0x1]  }
0x3: {  	s3 =	rddreg [dreg:$0x2]  }
0x4: {  	s0 =	srdreg.scid;
	s2 =	rddreg [dreg:$0x3]  }
0x5: {  	s4 =	simm.s32 $0x0;
	s13 =	simm.s32 $0x13C00;
	s6 =	sand.u32 $0x1, s0  }
0x6: {  	s14 =	simm.s32 $0x13C80;
	s0 =	stileid.u32;
	s5 =	smul.u32 $0x27100, s6  }
0x7: {  	s15 =	simm.s32 $0x50;
	s16 =	simm.s32 $0x13D00;
	s8 =	smul.u32 $0x2710, s0  }
0x8: {  	s17 =	simm.s32 $0x1;
	[smem:$0x7FF] =	sst s4;
	s9 =	smul.u32 $0x13C000, s6  }
0x9: {  	s18 =	simm.s32 $0x0;
	s10 =	smul.u32 $0x13C00, s0;
	_ =	strace $0x8000004D  }
0xa: {  	s30 =	smul.u32 $0x4F000, s0;
	s6 =	ssub.s32 $0x2, s6;
	s11 =	sshll.u32 s0, $0x6  }
0xb: {  	s31 =	sshrl.u32 s6, $0x1;
	s5 =	sadd.s32 s8, s5;
	s28 =	sadd.s32 s10, s9  }
0xc: {  	s9 =	sshrl.u32 s30, $0x2;
	s5 =	sshrl.u32 s5, $0x3;
	s8 =	sshrl.u32 s28, $0x3  }
0xd: {  	s12 =	sadd.s32 s9, s3;
	s29 =	sadd.s32 s5, s7;
	s5 =	sadd.s32 $0x16A00, s7  }
0xe: {  	s7 =	sadd.s32 s8, s7;
	s8 =	ssub.s32 s6, s31;
	s6 =	sor.u32 $0x1C02, s11  }
0xf: {  	s11 =	sshrl.u32 s12, $0x3;
	s12 =	simm.s32 $0x2;
	s7 =	sadd.s32 $0x19200, s7  }
0x10: {  	s8 =	smax.u32 s8, $0x1;
	s9 =	sadd.s32 $0xCC00, s29;
	s10 =	sadd.s32 $0x2E00, s29  }
.LBB2_1:
0x11: {  	[spmem:s11], [sflag:s6] =	dma.local [hbm:s5], $0x2780  }
0x12: {  	_ =	swait.ge [sflag:s12], $0x2780  }
0x13: {  	[sflag:s12] =	ssyncset.done $0x0  }
0x14: {  	[sflag:s12] =	ssyncadd.s32 $0xFFFFD880  }
0x15: {  	s19 =	sadd.s32 $0x0, s10;
	[bflag:$0x0] =	sbarrier.arrive $0xFFFF  }
0x16: {  	[tilespmem:s13], [sflag:$0x2] =	stream.linear.gather [hbm4b:s19+s4], $0x50, $0x38;
	[tilespmem:$0x16500] =	vst v63  }
0x17: {  	_ =	swait.ge [sflag:s12], $0x50  }
0x18: {  	[sflag:s12] =	ssyncset.done $0x0  }
0x19: {  	s31 =	sadd.s32 $0x0, s9;
	[sflag:s12] =	ssyncadd.s32 $0xFFFFFFB0  }
0x1a: {  	[tilespmem:s14], [sflag:$0x2] =	stream.linear.gather [hbm4b:s31+s4], $0x50, $0x38;
	[tilespmem:$0x16500] =	vst v63  }
0x1b: {  	_ =	swait.ge [sflag:s12], $0x50  }
0x1c: {  	[sflag:s12] =	ssyncset.done $0x0  }
0x1d: {  	[sflag:s12] =	ssyncadd.s32 $0xFFFFFFB0  }
0x1e: {  	[tilespmem:s16], [sflag:$0x1] =	stream.indirect.gather [hbm4b:s1+s15], $0x80, s13, s15, $0xb8;
	[tilespmem:$0x16500] =	vst v63  }
0x1f: {  	_ =	swait.ge [sflag:s17], $0x2800  }
0x20: {  	[sflag:s17] =	ssyncset.done $0x0  }
0x21: {  	[sflag:s17] =	ssyncadd.s32 $0xFFFFD800  }
0x22: {  	[spmem:s3] =	stream.indirect.scatter.add.f32 [tilespmem:s16], [sflag:$0x2], $0x80, s14, s15, $0xb8;
	[tilespmem:$0x16500] =	vst v63  }
0x23: {  	_ =	swait.ge [sflag:s12], $0x2800  }
0x24: {  	s20 =	simm.s32 $0x14;
	s19 =	simm.s32 $0xA;
	[sflag:s12] =	ssyncset.done $0x0  }
.LBB2_2:
0x25: {  	s21 =	sadd.s32 s19, s10  }
0x26: {  	[sflag:s12] =	ssyncadd.s32 $0xFFFFD800;
	s22 =	smov.u32 s20;
	s23 =	sadd.s32 $0xA, s20  }
0x27: {  	[tilespmem:s13], [sflag:$0x2] =	stream.linear.gather [hbm4b:s21+s4], $0x50, $0x38;
	[tilespmem:$0x16500] =	vst v63  }
0x28: {  	p0 =	sne.s32 s20, $0x4D8;
	_ =	swait.ge [sflag:s12], $0x50  }
0x29: {  	[sflag:s12] =	ssyncset.done $0x0  }
0x2a: {  	s20 =	sadd.s32 s19, s9;
	s19 =	smov.u32 s22;
	[sflag:s12] =	ssyncadd.s32 $0xFFFFFFB0  }
0x2b: {  	[tilespmem:s14], [sflag:$0x2] =	stream.linear.gather [hbm4b:s20+s4], $0x50, $0x38;
	[tilespmem:$0x16500] =	vst v63  }
0x2c: {  	_ =	swait.ge [sflag:s12], $0x50  }
0x2d: {  	[sflag:s12] =	ssyncset.done $0x0  }
0x2e: {  	[sflag:s12] =	ssyncadd.s32 $0xFFFFFFB0  }
0x2f: {  	[tilespmem:s16], [sflag:$0x1] =	stream.indirect.gather [hbm4b:s1+s15], $0x80, s13, s15, $0xb8;
	[tilespmem:$0x16500] =	vst v63  }
0x30: {  	_ =	swait.ge [sflag:s17], $0x2800  }
.Ltmp0:
0x31: {  	[sflag:s17] =	ssyncset.done $0x0;
	(pc) =	sbr.rel @p0 .LBB2_2-.Ltmp0, $4  }
0x32: {  	[sflag:s17] =	ssyncadd.s32 $0xFFFFD800  }
0x33: {  	[spmem:s3] =	stream.indirect.scatter.add.f32 [tilespmem:s16], [sflag:$0x2], $0x80, s14, s15, $0xb8;
	[tilespmem:$0x16500] =	vst v63  }
0x34: {  	_ =	swait.ge [sflag:s12], $0x2800  }
0x35: {  	s20 =	smov.u32 s23;
	[sflag:s12] =	ssyncset.done $0x0  }
0x36: {  	s20 =	sadd.s32 s19, s10;
	[sflag:s12] =	ssyncadd.s32 $0xFFFFD800  }
0x37: {  	[tilespmem:s13], [sflag:$0x2] =	stream.linear.gather [hbm4b:s20+s4], $0x50, $0x38;
	[tilespmem:$0x16500] =	vst v63  }
0x38: {  	_ =	swait.ge [sflag:s12], $0x50  }
0x39: {  	[sflag:s12] =	ssyncset.done $0x0  }
0x3a: {  	s31 =	sadd.s32 s19, s9;
	[sflag:s12] =	ssyncadd.s32 $0xFFFFFFB0  }
0x3b: {  	[tilespmem:s14], [sflag:$0x2] =	stream.linear.gather [hbm4b:s31+s4], $0x50, $0x38;
	[tilespmem:$0x16500] =	vst v63  }
0x3c: {  	_ =	swait.ge [sflag:s12], $0x50  }
0x3d: {  	[sflag:s12] =	ssyncset.done $0x0  }
0x3e: {  	[sflag:s12] =	ssyncadd.s32 $0xFFFFFFB0  }
0x3f: {  	[tilespmem:s16], [sflag:$0x1] =	stream.indirect.gather [hbm4b:s1+s15], $0x80, s13, s15, $0xb8;
	[tilespmem:$0x16500] =	vst v63  }
0x40: {  	_ =	swait.ge [sflag:s17], $0x2800  }
0x41: {  	[sflag:s17] =	ssyncset.done $0x0  }
0x42: {  	[sflag:s17] =	ssyncadd.s32 $0xFFFFD800  }
0x43: {  	[spmem:s3] =	stream.indirect.scatter.add.f32 [tilespmem:s16], [sflag:$0x2], $0x80, s14, s15, $0xb8;
	[tilespmem:$0x16500] =	vst v63  }
0x44: {  	_ =	swait.ge [sflag:s12], $0x2800  }
0x45: {  	s18 =	sadd.s32 $0x1, s18;
	[sflag:s12] =	ssyncset.done $0x0  }
0x46: {  	p0 =	sne.s32 s18, s8;
	[sflag:s12] =	ssyncadd.s32 $0xFFFFD800  }
.Ltmp1:
0x47: {  	[bflag:$0x0] =	sbarrier.arrive $0xFFFF;
	(pc) =	sbr.rel @p0 .LBB2_1-.Ltmp1, $4  }
0x48: {  	[hbm:s7], [sflag:s6] =	dma.local [spmem:s11], $0x2780  }
0x49: {  	_ =	swait.ge [sflag:s12], $0x2780  }
0x4a: {  	[sflag:s12] =	ssyncset.done $0x0  }
0x4b: {  	[sflag:s12] =	ssyncadd.s32 $0xFFFFD880  }
0x4c: {  	_ =	sfence.sel $0x180000  }
0x4d: {  	[bflag:$0x0] =	sbarrier.arrive $0xFFFF  }
0x4e: {  	p0 =	sne.s32 s0, $0x0;
	_ =	strace $0x9000004D  }
0x4f: {  	s0 =	sadd.s32 @!p0 $0x100000, s2;
	[bflag:$0x2] =	sbarrier.arrive $0xFFFF  }
0x50: {  	[sflag:s0] =	ssyncadd.tile.s32 @!p0 $0x1;
	_ =	shalt  }
.Lfunc_end2:
_tile_overlayer_lowered:
.L_overlay_start_2:
0x51: {  	(tag) =	ssettag $0x2  }
0x52: {  	s0 =	rddreg [dreg:$0x0];
	s2 =	stileid.u32  }
0x53: {  	s1 =	rddreg [dreg:$0x1];
	p0 =	sne.s32 s2, $0x0  }
0x54: {  	s3 =	rddreg [dreg:$0x2];
	[bflag:$0x3] =	sbarrier.arrive $0xFFFF;
	s2 =	simm.s32 @!p0 $0x1C02  }
0x55: {  	[timem:s3], [sflag:s2] =	dma.local @!p0 [hbm:s0], s1  }
0x56: {  	s0 =	simm.s32 @!p0 $0x2  }
0x57: {  	_ =	swait.ge @!p0 [sflag:s0], s1  }
0x58: {  	s1 =	ssub.s32 @!p0 $0x0, s1;
	[sflag:s0] =	ssyncset.done @!p0 $0x0  }
0x59: {  	[sflag:s0] =	ssyncadd.s32 @!p0 s1  }
0x5a: {  	[bflag:$0x3] =	sbarrier.arrive $0xFFFF  }
0x5b: {  	_ =	shalt  }

</sc_bundles>
